<compile_context>
chip_gen: v7x
topology: tpu7x:2x2x1
jax: 0.10.2.dev20260603
libtpu: 0.0.44.dev20260713+nightly
codegen_flags: <defaults>
</compile_context>

<pallas_src>
import functools

import jax
import jax.numpy as jnp
from jax import lax
from jax.experimental import pallas as pl
from jax.experimental.pallas import tpu as pltpu
from jax.experimental.pallas import tpu_sc as plsc

ROWS = 128
COLS = 32768
NC = 2
NS = 16
L = 16
NW = NC * NS
RPW = ROWS // NW
VPR = COLS // L
UNROLL = 16
ITERS = VPR // UNROLL
FMIN = -3.402823466e38
FMAX = 3.402823466e38

_mesh = plsc.VectorSubcoreMesh(core_axis_name="c", subcore_axis_name="s")


@functools.partial(
    pl.kernel,
    mesh=_mesh,
    out_type=jax.ShapeDtypeStruct((NW, L), jnp.float32),
    scratch_types=[
        pltpu.VMEM((2, COLS), jnp.float32),
        pltpu.VMEM((ROWS + L,), jnp.float32),
        pltpu.VMEM((L,), jnp.float32),
        pltpu.SemaphoreType.DMA,
        pltpu.SemaphoreType.DMA,
    ],
)
def _absmax_gate(neuron_hbm, seg_hbm, out_hbm, buf, neu_v, res_v, sem0, sem1):
    wid = lax.axis_index("s") * NC + lax.axis_index("c")
    row0 = wid * RPW
    pltpu.sync_copy(neuron_hbm, neu_v.at[pl.ds(0, ROWS)])
    neu_v[pl.ds(ROWS, L)] = jnp.zeros((L,), jnp.float32)

    sems = (sem0, sem1)
    copies = [pltpu.async_copy(seg_hbm.at[row0], buf.at[0], sem0), None]

    lane = jnp.arange(L, dtype=jnp.int32)
    res = jnp.zeros((L,), jnp.float32)

    for r in range(RPW):
        if r + 1 < RPW:
            nxt = (r + 1) % 2
            copies[nxt] = pltpu.async_copy(
                seg_hbm.at[row0 + r + 1], buf.at[nxt], sems[nxt])
        copies[r % 2].wait()
        b = buf.at[r % 2]

        def step(i, carry, b=b):
            m0, m1, m2, m3, n0, n1, n2, n3 = carry
            base = i * (UNROLL * L)
            v = [b[pl.ds(base + k * L, L)] for k in range(UNROLL)]
            t0 = jnp.maximum(jnp.maximum(v[0], v[1]), jnp.maximum(v[2], v[3]))
            t1 = jnp.maximum(jnp.maximum(v[4], v[5]), jnp.maximum(v[6], v[7]))
            t2 = jnp.maximum(jnp.maximum(v[8], v[9]), jnp.maximum(v[10], v[11]))
            t3 = jnp.maximum(jnp.maximum(v[12], v[13]), jnp.maximum(v[14], v[15]))
            u0 = jnp.minimum(jnp.minimum(v[0], v[1]), jnp.minimum(v[2], v[3]))
            u1 = jnp.minimum(jnp.minimum(v[4], v[5]), jnp.minimum(v[6], v[7]))
            u2 = jnp.minimum(jnp.minimum(v[8], v[9]), jnp.minimum(v[10], v[11]))
            u3 = jnp.minimum(jnp.minimum(v[12], v[13]), jnp.minimum(v[14], v[15]))
            return (jnp.maximum(m0, t0), jnp.maximum(m1, t1),
                    jnp.maximum(m2, t2), jnp.maximum(m3, t3),
                    jnp.minimum(n0, u0), jnp.minimum(n1, u1),
                    jnp.minimum(n2, u2), jnp.minimum(n3, u3))

        init = ((jnp.full((L,), FMIN, jnp.float32),) * 4
                + (jnp.full((L,), FMAX, jnp.float32),) * 4)
        m0, m1, m2, m3, n0, n1, n2, n3 = lax.fori_loop(0, ITERS, step, init)
        m = jnp.maximum(jnp.maximum(m0, m1), jnp.maximum(m2, m3))
        n = jnp.minimum(jnp.minimum(n0, n1), jnp.minimum(n2, n3))
        for k in (8, 4, 2, 1):
            perm = jnp.bitwise_xor(lane, k)
            m = jnp.maximum(m, m.at[perm].get(mode="promise_in_bounds"))
            n = jnp.minimum(n, n.at[perm].get(mode="promise_in_bounds"))
        signed = jnp.where(m >= -n, m, n)
        res = jnp.where(lane == r, signed, res)

    neu = neu_v[pl.ds(row0, L)]
    gate = 1.0 / (1.0 + jnp.exp(-res))
    res_v[...] = neu * gate
    pltpu.sync_copy(res_v, out_hbm.at[wid])


def kernel(neuron_out, segment_out):
    padded = _absmax_gate(neuron_out, segment_out)
    return padded[:, :RPW].reshape(ROWS)

# --- scband reference (transcript-rebuilt; emitter-appended) ---
"""Pipeline reference for scband-absolute-max-gating-55035710931811 (READ-ONLY COPY).

The authoritative reference and input builder live on the scoring server;
editing this copy changes nothing except your own understanding.
"""

import jax, jax.numpy as jnp
import numpy as np


def setup_inputs(seed: int = 0) -> dict:
    key = jax.random.key(seed)
    k1, k2 = jax.random.split(key)
    neuron_out = jax.random.normal(k1, (128,), dtype=jnp.float32)
    segment_out = jax.random.normal(k2, (128, 32768), dtype=jnp.float32)
    return {"neuron_out": neuron_out, "segment_out": segment_out}


def reference(neuron_out, segment_out):
    # index of the absolute-max element per row
    index = jnp.argmax(jnp.abs(segment_out), axis=1)
    index = index.reshape(segment_out.shape[0], 1)
    # gather the (signed) value at that index
    percent = jnp.take_along_axis(segment_out, index, axis=1)
    percent = percent.reshape(segment_out.shape[0])
    percent = jax.nn.sigmoid(percent)
    return neuron_out * percent

if __name__ == "__main__":
    import jax
    _d = setup_inputs()
    print(jax.jit(kernel)(*tuple(_d.values())))

</pallas_src>

<mosaic_0001>
#map = affine_map<(d0, d1) -> (0)>
#map1 = affine_map<(d0, d1) -> (0, 0)>
module attributes {stable_mosaic.version = 14 : i64} {
  func.func @_absmax_gate(%arg0: i32, %arg1: i32, %arg2: memref<128xf32, #tpu.memory_space<hbm>>, %arg3: memref<128x32768xf32, #tpu.memory_space<hbm>>, %arg4: memref<32x16xf32, #tpu.memory_space<hbm>>, %arg5: memref<2x32768xf32, #tpu.memory_space<vmem>>, %arg6: memref<144xf32, #tpu.memory_space<vmem>>, %arg7: memref<16xf32, #tpu.memory_space<vmem>>, %arg8: memref<!tpu.dma_semaphore, #tpu.memory_space<semaphore_mem>>, %arg9: memref<!tpu.dma_semaphore, #tpu.memory_space<semaphore_mem>>) attributes {dimension_semantics = [#tpu.dimension_semantics<core_parallel>, #tpu.dimension_semantics<subcore_parallel>], iteration_bounds = array<i64: 2, 16>, scalar_prefetch = 0 : i64, scratch_operands = 5 : i64, tpu.core_type = #tpu.core_type<sc_vector_subcore>, window_params = [{transform_indices = #map}, {transform_indices = #map1}, {transform_indices = #map1}]} {
    %mul3A = arith.constant 2 : i32
    %mul3A_0 = arith.muli %arg1, %mul3A : i32
    %add3A = arith.addi %mul3A_0, %arg0 : i32
    %mul3A_1 = arith.constant 4 : i32
    %mul3A_2 = arith.muli %add3A, %mul3A_1 : i32
    "tpu.region"() ({
      %run_scoped3A = tpu.sem_alloc : memref<!tpu.dma_semaphore, #tpu.memory_space<semaphore_mem>>
      %dma_start3A_632 = arith.constant 0 : i32
      %dma_start3A_633 = tpu.memref_slice %arg6[%dma_start3A_632] : memref<144xf32, #tpu.memory_space<vmem>> -> memref<128xf32, #tpu.memory_space<vmem>>
      %dma_start3A_634 = arith.constant 0 : i32
      %dma_start3A_635 = tpu.memref_slice %arg6[%dma_start3A_634] : memref<144xf32, #tpu.memory_space<vmem>> -> memref<128xf32, #tpu.memory_space<vmem>>
      tpu.enqueue_dma source(%arg2 : memref<128xf32, #tpu.memory_space<hbm>>) target(%dma_start3A_635 : memref<128xf32, #tpu.memory_space<vmem>>) target_semaphore(%run_scoped3A : memref<!tpu.dma_semaphore, #tpu.memory_space<semaphore_mem>>)
      %dma_wait3A_636 = arith.constant 0 : i32
      %dma_wait3A_637 = tpu.memref_slice %arg6[%dma_wait3A_636] : memref<144xf32, #tpu.memory_space<vmem>> -> memref<128xf32, #tpu.memory_space<vmem>>
      %dma_wait3A_638 = arith.constant 0 : i32
      %dma_wait3A_639 = tpu.memref_slice %arg6[%dma_wait3A_638] : memref<144xf32, #tpu.memory_space<vmem>> -> memref<128xf32, #tpu.memory_space<vmem>>
      tpu.wait_dma2 semaphore(%run_scoped3A : memref<!tpu.dma_semaphore, #tpu.memory_space<semaphore_mem>>) src(%arg2 : memref<128xf32, #tpu.memory_space<hbm>>) dst(%dma_wait3A_639 : memref<128xf32, #tpu.memory_space<vmem>>)
      tpu.yield
    }) : () -> ()
    %broadcast_in_dim3A = arith.constant 0.000000e+00 : f32
    %broadcast_in_dim3A_3 = vector.broadcast %broadcast_in_dim3A : f32 to vector<16xf32>
    %swap3A = arith.constant 128 : index
    %swap3A_4 = tpu.vector_load %arg6[%swap3A] {strides = array<i32>} : memref<144xf32, #tpu.memory_space<vmem>>, vector<16xf32>,
    %swap3A_5 = vector.shape_cast %swap3A_4 : vector<16xf32> to vector<16xf32>
    %swap3A_6 = vector.shape_cast %broadcast_in_dim3A_3 : vector<16xf32> to vector<16xf32>
    tpu.vector_store %arg6[%swap3A], %swap3A_6 {strides = array<i32>} : memref<144xf32, #tpu.memory_space<vmem>>, vector<16xf32>,
    %dma_start3A = arith.constant 0 : i32
    %dma_start3A_7 = arith.constant 0 : i32
    %dma_start3A_8 = tpu.memref_slice %arg5[%dma_start3A, %dma_start3A_7] : memref<2x32768xf32, #tpu.memory_space<vmem>> -> memref<1x32768xf32, #tpu.memory_space<vmem>>
    %dma_start3A_9 = tpu.memref_squeeze %dma_start3A_8 : memref<1x32768xf32, #tpu.memory_space<vmem>> -> memref<32768xf32, #tpu.memory_space<vmem>>
    %dma_start3A_10 = arith.constant 0 : i32
    %dma_start3A_11 = tpu.memref_slice %arg3[%mul3A_2, %dma_start3A_10] : memref<128x32768xf32, #tpu.memory_space<hbm>> -> memref<1x32768xf32, #tpu.memory_space<hbm>>
    %dma_start3A_12 = tpu.memref_squeeze %dma_start3A_11 : memref<1x32768xf32, #tpu.memory_space<hbm>> -> memref<32768xf32, #tpu.memory_space<hbm>>
    %dma_start3A_13 = arith.constant 0 : i32
    %dma_start3A_14 = tpu.memref_slice %arg5[%dma_start3A, %dma_start3A_13] : memref<2x32768xf32, #tpu.memory_space<vmem>> -> memref<1x32768xf32, #tpu.memory_space<vmem>>
    %dma_start3A_15 = tpu.memref_squeeze %dma_start3A_14 : memref<1x32768xf32, #tpu.memory_space<vmem>> -> memref<32768xf32, #tpu.memory_space<vmem>>
    %dma_start3A_16 = arith.constant 0 : i32
    %dma_start3A_17 = tpu.memref_slice %arg3[%mul3A_2, %dma_start3A_16] : memref<128x32768xf32, #tpu.memory_space<hbm>> -> memref<1x32768xf32, #tpu.memory_space<hbm>>
    %dma_start3A_18 = tpu.memref_squeeze %dma_start3A_17 : memref<1x32768xf32, #tpu.memory_space<hbm>> -> memref<32768xf32, #tpu.memory_space<hbm>>
    tpu.enqueue_dma source(%dma_start3A_18 : memref<32768xf32, #tpu.memory_space<hbm>>) target(%dma_start3A_15 : memref<32768xf32, #tpu.memory_space<vmem>>) target_semaphore(%arg8 : memref<!tpu.dma_semaphore, #tpu.memory_space<semaphore_mem>>)
    %iota3A = tpu.iota {dimensions = array<i32: 0>} : vector<16xi32>
    %broadcast_in_dim3A_19 = arith.constant 0.000000e+00 : f32
    %broadcast_in_dim3A_20 = vector.broadcast %broadcast_in_dim3A_19 : f32 to vector<16xf32>
    %add3A_21 = arith.constant 0 : i32
    %add3A_22 = arith.addi %mul3A_2, %add3A_21 : i32
    %add3A_23 = arith.constant 1 : i32
    %add3A_24 = arith.addi %add3A_22, %add3A_23 : i32
    %dma_start3A_25 = arith.constant 1 : i32
    %dma_start3A_26 = arith.constant 0 : i32
    %dma_start3A_27 = tpu.memref_slice %arg5[%dma_start3A_25, %dma_start3A_26] : memref<2x32768xf32, #tpu.memory_space<vmem>> -> memref<1x32768xf32, #tpu.memory_space<vmem>>
    %dma_start3A_28 = tpu.memref_squeeze %dma_start3A_27 : memref<1x32768xf32, #tpu.memory_space<vmem>> -> memref<32768xf32, #tpu.memory_space<vmem>>
    %dma_start3A_29 = arith.constant 0 : i32
    %dma_start3A_30 = tpu.memref_slice %arg3[%add3A_24, %dma_start3A_29] : memref<128x32768xf32, #tpu.memory_space<hbm>> -> memref<1x32768xf32, #tpu.memory_space<hbm>>
    %dma_start3A_31 = tpu.memref_squeeze %dma_start3A_30 : memref<1x32768xf32, #tpu.memory_space<hbm>> -> memref<32768xf32, #tpu.memory_space<hbm>>
    %dma_start3A_32 = arith.constant 0 : i32
    %dma_start3A_33 = tpu.memref_slice %arg5[%dma_start3A_25, %dma_start3A_32] : memref<2x32768xf32, #tpu.memory_space<vmem>> -> memref<1x32768xf32, #tpu.memory_space<vmem>>
    %dma_start3A_34 = tpu.memref_squeeze %dma_start3A_33 : memref<1x32768xf32, #tpu.memory_space<vmem>> -> memref<32768xf32, #tpu.memory_space<vmem>>
    %dma_start3A_35 = arith.constant 0 : i32
    %dma_start3A_36 = tpu.memref_slice %arg3[%add3A_24, %dma_start3A_35] : memref<128x32768xf32, #tpu.memory_space<hbm>> -> memref<1x32768xf32, #tpu.memory_space<hbm>>
    %dma_start3A_37 = tpu.memref_squeeze %dma_start3A_36 : memref<1x32768xf32, #tpu.memory_space<hbm>> -> memref<32768xf32, #tpu.memory_space<hbm>>
    tpu.enqueue_dma source(%dma_start3A_37 : memref<32768xf32, #tpu.memory_space<hbm>>) target(%dma_start3A_34 : memref<32768xf32, #tpu.memory_space<vmem>>) target_semaphore(%arg9 : memref<!tpu.dma_semaphore, #tpu.memory_space<semaphore_mem>>)
    %dma_wait3A = arith.constant 0 : i32
    %dma_wait3A_38 = arith.constant 0 : i32
    %dma_wait3A_39 = tpu.memref_slice %arg5[%dma_wait3A, %dma_wait3A_38] : memref<2x32768xf32, #tpu.memory_space<vmem>> -> memref<1x32768xf32, #tpu.memory_space<vmem>>
    %dma_wait3A_40 = tpu.memref_squeeze %dma_wait3A_39 : memref<1x32768xf32, #tpu.memory_space<vmem>> -> memref<32768xf32, #tpu.memory_space<vmem>>
    %dma_wait3A_41 = arith.constant 0 : i32
    %dma_wait3A_42 = tpu.memref_slice %arg3[%mul3A_2, %dma_wait3A_41] : memref<128x32768xf32, #tpu.memory_space<hbm>> -> memref<1x32768xf32, #tpu.memory_space<hbm>>
    %dma_wait3A_43 = tpu.memref_squeeze %dma_wait3A_42 : memref<1x32768xf32, #tpu.memory_space<hbm>> -> memref<32768xf32, #tpu.memory_space<hbm>>
    %dma_wait3A_44 = arith.constant 0 : i32
    %dma_wait3A_45 = tpu.memref_slice %arg5[%dma_wait3A, %dma_wait3A_44] : memref<2x32768xf32, #tpu.memory_space<vmem>> -> memref<1x32768xf32, #tpu.memory_space<vmem>>
    %dma_wait3A_46 = tpu.memref_squeeze %dma_wait3A_45 : memref<1x32768xf32, #tpu.memory_space<vmem>> -> memref<32768xf32, #tpu.memory_space<vmem>>
    %dma_wait3A_47 = arith.constant 0 : i32
    %dma_wait3A_48 = tpu.memref_slice %arg3[%mul3A_2, %dma_wait3A_47] : memref<128x32768xf32, #tpu.memory_space<hbm>> -> memref<1x32768xf32, #tpu.memory_space<hbm>>
    %dma_wait3A_49 = tpu.memref_squeeze %dma_wait3A_48 : memref<1x32768xf32, #tpu.memory_space<hbm>> -> memref<32768xf32, #tpu.memory_space<hbm>>
    tpu.wait_dma2 semaphore(%arg8 : memref<!tpu.dma_semaphore, #tpu.memory_space<semaphore_mem>>) src(%dma_wait3A_49 : memref<32768xf32, #tpu.memory_space<hbm>>) dst(%dma_wait3A_46 : memref<32768xf32, #tpu.memory_space<vmem>>)
    %broadcast_in_dim3A_50 = arith.constant -3.40282347E+38 : f32
    %broadcast_in_dim3A_51 = vector.broadcast %broadcast_in_dim3A_50 : f32 to vector<16xf32>
    %broadcast_in_dim3A_52 = arith.constant 3.40282347E+38 : f32
    %broadcast_in_dim3A_53 = vector.broadcast %broadcast_in_dim3A_52 : f32 to vector<16xf32>
    %scan3A = arith.constant 0 : i32
    %scan3A_54 = arith.constant 0 : i32
    %scan3A_55 = arith.constant 128 : i32
    %scan3A_56 = arith.addi %scan3A_54, %scan3A_55 : i32
    %scan3A_57 = arith.constant 1 : i32
    %scan3A_58:8 = scf.for %scan3A_632 = %scan3A_54 to %scan3A_56 step %scan3A_57 iter_args(%scan3A_633 = %broadcast_in_dim3A_51, %scan3A_634 = %broadcast_in_dim3A_51, %scan3A_635 = %broadcast_in_dim3A_51, %scan3A_636 = %broadcast_in_dim3A_51, %scan3A_637 = %broadcast_in_dim3A_53, %scan3A_638 = %broadcast_in_dim3A_53, %scan3A_639 = %broadcast_in_dim3A_53, %scan3A_640 = %broadcast_in_dim3A_53) -> (vector<16xf32>, vector<16xf32>, vector<16xf32>, vector<16xf32>, vector<16xf32>, vector<16xf32>, vector<16xf32>, vector<16xf32>)  : i32 {
      %mul3A_641 = arith.constant 256 : i32
      %mul3A_642 = arith.muli %scan3A_632, %mul3A_641 : i32
      %add3A_643 = arith.constant 0 : i32
      %add3A_644 = arith.addi %mul3A_642, %add3A_643 : i32
      %get3A_645 = arith.constant 0 : i32
      %get3A_646 = tpu.memref_slice %arg5[%scan3A, %get3A_645] : memref<2x32768xf32, #tpu.memory_space<vmem>> -> memref<1x32768xf32, #tpu.memory_space<vmem>>
      %get3A_647 = tpu.memref_squeeze %get3A_646 : memref<1x32768xf32, #tpu.memory_space<vmem>> -> memref<32768xf32, #tpu.memory_space<vmem>>
      %get3A_648 = arith.index_cast %add3A_644 : i32 to index
      %get3A_649 = tpu.vector_load %get3A_647[%get3A_648] {strides = array<i32>} : memref<32768xf32, #tpu.memory_space<vmem>>, vector<16xf32>,
      %get3A_650 = vector.shape_cast %get3A_649 : vector<16xf32> to vector<16xf32>
      %add3A_651 = arith.constant 16 : i32
      %add3A_652 = arith.addi %mul3A_642, %add3A_651 : i32
      %get3A_653 = arith.constant 0 : i32
      %get3A_654 = tpu.memref_slice %arg5[%scan3A, %get3A_653] : memref<2x32768xf32, #tpu.memory_space<vmem>> -> memref<1x32768xf32, #tpu.memory_space<vmem>>
      %get3A_655 = tpu.memref_squeeze %get3A_654 : memref<1x32768xf32, #tpu.memory_space<vmem>> -> memref<32768xf32, #tpu.memory_space<vmem>>
      %get3A_656 = arith.index_cast %add3A_652 : i32 to index
      %get3A_657 = tpu.vector_load %get3A_655[%get3A_656] {strides = array<i32>} : memref<32768xf32, #tpu.memory_space<vmem>>, vector<16xf32>,
      %get3A_658 = vector.shape_cast %get3A_657 : vector<16xf32> to vector<16xf32>
      %add3A_659 = arith.constant 32 : i32
      %add3A_660 = arith.addi %mul3A_642, %add3A_659 : i32
      %get3A_661 = arith.constant 0 : i32
      %get3A_662 = tpu.memref_slice %arg5[%scan3A, %get3A_661] : memref<2x32768xf32, #tpu.memory_space<vmem>> -> memref<1x32768xf32, #tpu.memory_space<vmem>>
      %get3A_663 = tpu.memref_squeeze %get3A_662 : memref<1x32768xf32, #tpu.memory_space<vmem>> -> memref<32768xf32, #tpu.memory_space<vmem>>
      %get3A_664 = arith.index_cast %add3A_660 : i32 to index
      %get3A_665 = tpu.vector_load %get3A_663[%get3A_664] {strides = array<i32>} : memref<32768xf32, #tpu.memory_space<vmem>>, vector<16xf32>,
      %get3A_666 = vector.shape_cast %get3A_665 : vector<16xf32> to vector<16xf32>
      %add3A_667 = arith.constant 48 : i32
      %add3A_668 = arith.addi %mul3A_642, %add3A_667 : i32
      %get3A_669 = arith.constant 0 : i32
      %get3A_670 = tpu.memref_slice %arg5[%scan3A, %get3A_669] : memref<2x32768xf32, #tpu.memory_space<vmem>> -> memref<1x32768xf32, #tpu.memory_space<vmem>>
      %get3A_671 = tpu.memref_squeeze %get3A_670 : memref<1x32768xf32, #tpu.memory_space<vmem>> -> memref<32768xf32, #tpu.memory_space<vmem>>
      %get3A_672 = arith.index_cast %add3A_668 : i32 to index
      %get3A_673 = tpu.vector_load %get3A_671[%get3A_672] {strides = array<i32>} : memref<32768xf32, #tpu.memory_space<vmem>>, vector<16xf32>,
      %get3A_674 = vector.shape_cast %get3A_673 : vector<16xf32> to vector<16xf32>
      %add3A_675 = arith.constant 64 : i32
      %add3A_676 = arith.addi %mul3A_642, %add3A_675 : i32
      %get3A_677 = arith.constant 0 : i32
      %get3A_678 = tpu.memref_slice %arg5[%scan3A, %get3A_677] : memref<2x32768xf32, #tpu.memory_space<vmem>> -> memref<1x32768xf32, #tpu.memory_space<vmem>>
      %get3A_679 = tpu.memref_squeeze %get3A_678 : memref<1x32768xf32, #tpu.memory_space<vmem>> -> memref<32768xf32, #tpu.memory_space<vmem>>
      %get3A_680 = arith.index_cast %add3A_676 : i32 to index
      %get3A_681 = tpu.vector_load %get3A_679[%get3A_680] {strides = array<i32>} : memref<32768xf32, #tpu.memory_space<vmem>>, vector<16xf32>,
      %get3A_682 = vector.shape_cast %get3A_681 : vector<16xf32> to vector<16xf32>
      %add3A_683 = arith.constant 80 : i32
      %add3A_684 = arith.addi %mul3A_642, %add3A_683 : i32
      %get3A_685 = arith.constant 0 : i32
      %get3A_686 = tpu.memref_slice %arg5[%scan3A, %get3A_685] : memref<2x32768xf32, #tpu.memory_space<vmem>> -> memref<1x32768xf32, #tpu.memory_space<vmem>>
      %get3A_687 = tpu.memref_squeeze %get3A_686 : memref<1x32768xf32, #tpu.memory_space<vmem>> -> memref<32768xf32, #tpu.memory_space<vmem>>
      %get3A_688 = arith.index_cast %add3A_684 : i32 to index
      %get3A_689 = tpu.vector_load %get3A_687[%get3A_688] {strides = array<i32>} : memref<32768xf32, #tpu.memory_space<vmem>>, vector<16xf32>,
      %get3A_690 = vector.shape_cast %get3A_689 : vector<16xf32> to vector<16xf32>
      %add3A_691 = arith.constant 96 : i32
      %add3A_692 = arith.addi %mul3A_642, %add3A_691 : i32
      %get3A_693 = arith.constant 0 : i32
      %get3A_694 = tpu.memref_slice %arg5[%scan3A, %get3A_693] : memref<2x32768xf32, #tpu.memory_space<vmem>> -> memref<1x32768xf32, #tpu.memory_space<vmem>>
      %get3A_695 = tpu.memref_squeeze %get3A_694 : memref<1x32768xf32, #tpu.memory_space<vmem>> -> memref<32768xf32, #tpu.memory_space<vmem>>
      %get3A_696 = arith.index_cast %add3A_692 : i32 to index
      %get3A_697 = tpu.vector_load %get3A_695[%get3A_696] {strides = array<i32>} : memref<32768xf32, #tpu.memory_space<vmem>>, vector<16xf32>,
      %get3A_698 = vector.shape_cast %get3A_697 : vector<16xf32> to vector<16xf32>
      %add3A_699 = arith.constant 112 : i32
      %add3A_700 = arith.addi %mul3A_642, %add3A_699 : i32
      %get3A_701 = arith.constant 0 : i32
      %get3A_702 = tpu.memref_slice %arg5[%scan3A, %get3A_701] : memref<2x32768xf32, #tpu.memory_space<vmem>> -> memref<1x32768xf32, #tpu.memory_space<vmem>>
      %get3A_703 = tpu.memref_squeeze %get3A_702 : memref<1x32768xf32, #tpu.memory_space<vmem>> -> memref<32768xf32, #tpu.memory_space<vmem>>
      %get3A_704 = arith.index_cast %add3A_700 : i32 to index
      %get3A_705 = tpu.vector_load %get3A_703[%get3A_704] {strides = array<i32>} : memref<32768xf32, #tpu.memory_space<vmem>>, vector<16xf32>,
      %get3A_706 = vector.shape_cast %get3A_705 : vector<16xf32> to vector<16xf32>
      %add3A_707 = arith.constant 128 : i32
      %add3A_708 = arith.addi %mul3A_642, %add3A_707 : i32
      %get3A_709 = arith.constant 0 : i32
      %get3A_710 = tpu.memref_slice %arg5[%scan3A, %get3A_709] : memref<2x32768xf32, #tpu.memory_space<vmem>> -> memref<1x32768xf32, #tpu.memory_space<vmem>>
      %get3A_711 = tpu.memref_squeeze %get3A_710 : memref<1x32768xf32, #tpu.memory_space<vmem>> -> memref<32768xf32, #tpu.memory_space<vmem>>
      %get3A_712 = arith.index_cast %add3A_708 : i32 to index
      %get3A_713 = tpu.vector_load %get3A_711[%get3A_712] {strides = array<i32>} : memref<32768xf32, #tpu.memory_space<vmem>>, vector<16xf32>,
      %get3A_714 = vector.shape_cast %get3A_713 : vector<16xf32> to vector<16xf32>
      %add3A_715 = arith.constant 144 : i32
      %add3A_716 = arith.addi %mul3A_642, %add3A_715 : i32
      %get3A_717 = arith.constant 0 : i32
      %get3A_718 = tpu.memref_slice %arg5[%scan3A, %get3A_717] : memref<2x32768xf32, #tpu.memory_space<vmem>> -> memref<1x32768xf32, #tpu.memory_space<vmem>>
      %get3A_719 = tpu.memref_squeeze %get3A_718 : memref<1x32768xf32, #tpu.memory_space<vmem>> -> memref<32768xf32, #tpu.memory_space<vmem>>
      %get3A_720 = arith.index_cast %add3A_716 : i32 to index
      %get3A_721 = tpu.vector_load %get3A_719[%get3A_720] {strides = array<i32>} : memref<32768xf32, #tpu.memory_space<vmem>>, vector<16xf32>,
      %get3A_722 = vector.shape_cast %get3A_721 : vector<16xf32> to vector<16xf32>
      %add3A_723 = arith.constant 160 : i32
      %add3A_724 = arith.addi %mul3A_642, %add3A_723 : i32
      %get3A_725 = arith.constant 0 : i32
      %get3A_726 = tpu.memref_slice %arg5[%scan3A, %get3A_725] : memref<2x32768xf32, #tpu.memory_space<vmem>> -> memref<1x32768xf32, #tpu.memory_space<vmem>>
      %get3A_727 = tpu.memref_squeeze %get3A_726 : memref<1x32768xf32, #tpu.memory_space<vmem>> -> memref<32768xf32, #tpu.memory_space<vmem>>
      %get3A_728 = arith.index_cast %add3A_724 : i32 to index
      %get3A_729 = tpu.vector_load %get3A_727[%get3A_728] {strides = array<i32>} : memref<32768xf32, #tpu.memory_space<vmem>>, vector<16xf32>,
      %get3A_730 = vector.shape_cast %get3A_729 : vector<16xf32> to vector<16xf32>
      %add3A_731 = arith.constant 176 : i32
      %add3A_732 = arith.addi %mul3A_642, %add3A_731 : i32
      %get3A_733 = arith.constant 0 : i32
      %get3A_734 = tpu.memref_slice %arg5[%scan3A, %get3A_733] : memref<2x32768xf32, #tpu.memory_space<vmem>> -> memref<1x32768xf32, #tpu.memory_space<vmem>>
      %get3A_735 = tpu.memref_squeeze %get3A_734 : memref<1x32768xf32, #tpu.memory_space<vmem>> -> memref<32768xf32, #tpu.memory_space<vmem>>
      %get3A_736 = arith.index_cast %add3A_732 : i32 to index
      %get3A_737 = tpu.vector_load %get3A_735[%get3A_736] {strides = array<i32>} : memref<32768xf32, #tpu.memory_space<vmem>>, vector<16xf32>,
      %get3A_738 = vector.shape_cast %get3A_737 : vector<16xf32> to vector<16xf32>
      %add3A_739 = arith.constant 192 : i32
      %add3A_740 = arith.addi %mul3A_642, %add3A_739 : i32
      %get3A_741 = arith.constant 0 : i32
      %get3A_742 = tpu.memref_slice %arg5[%scan3A, %get3A_741] : memref<2x32768xf32, #tpu.memory_space<vmem>> -> memref<1x32768xf32, #tpu.memory_space<vmem>>
      %get3A_743 = tpu.memref_squeeze %get3A_742 : memref<1x32768xf32, #tpu.memory_space<vmem>> -> memref<32768xf32, #tpu.memory_space<vmem>>
      %get3A_744 = arith.index_cast %add3A_740 : i32 to index
      %get3A_745 = tpu.vector_load %get3A_743[%get3A_744] {strides = array<i32>} : memref<32768xf32, #tpu.memory_space<vmem>>, vector<16xf32>,
      %get3A_746 = vector.shape_cast %get3A_745 : vector<16xf32> to vector<16xf32>
      %add3A_747 = arith.constant 208 : i32
      %add3A_748 = arith.addi %mul3A_642, %add3A_747 : i32
      %get3A_749 = arith.constant 0 : i32
      %get3A_750 = tpu.memref_slice %arg5[%scan3A, %get3A_749] : memref<2x32768xf32, #tpu.memory_space<vmem>> -> memref<1x32768xf32, #tpu.memory_space<vmem>>
      %get3A_751 = tpu.memref_squeeze %get3A_750 : memref<1x32768xf32, #tpu.memory_space<vmem>> -> memref<32768xf32, #tpu.memory_space<vmem>>
      %get3A_752 = arith.index_cast %add3A_748 : i32 to index
      %get3A_753 = tpu.vector_load %get3A_751[%get3A_752] {strides = array<i32>} : memref<32768xf32, #tpu.memory_space<vmem>>, vector<16xf32>,
      %get3A_754 = vector.shape_cast %get3A_753 : vector<16xf32> to vector<16xf32>
      %add3A_755 = arith.constant 224 : i32
      %add3A_756 = arith.addi %mul3A_642, %add3A_755 : i32
      %get3A_757 = arith.constant 0 : i32
      %get3A_758 = tpu.memref_slice %arg5[%scan3A, %get3A_757] : memref<2x32768xf32, #tpu.memory_space<vmem>> -> memref<1x32768xf32, #tpu.memory_space<vmem>>
      %get3A_759 = tpu.memref_squeeze %get3A_758 : memref<1x32768xf32, #tpu.memory_space<vmem>> -> memref<32768xf32, #tpu.memory_space<vmem>>
      %get3A_760 = arith.index_cast %add3A_756 : i32 to index
      %get3A_761 = tpu.vector_load %get3A_759[%get3A_760] {strides = array<i32>} : memref<32768xf32, #tpu.memory_space<vmem>>, vector<16xf32>,
      %get3A_762 = vector.shape_cast %get3A_761 : vector<16xf32> to vector<16xf32>
      %add3A_763 = arith.constant 240 : i32
      %add3A_764 = arith.addi %mul3A_642, %add3A_763 : i32
      %get3A_765 = arith.constant 0 : i32
      %get3A_766 = tpu.memref_slice %arg5[%scan3A, %get3A_765] : memref<2x32768xf32, #tpu.memory_space<vmem>> -> memref<1x32768xf32, #tpu.memory_space<vmem>>
      %get3A_767 = tpu.memref_squeeze %get3A_766 : memref<1x32768xf32, #tpu.memory_space<vmem>> -> memref<32768xf32, #tpu.memory_space<vmem>>
      %get3A_768 = arith.index_cast %add3A_764 : i32 to index
      %get3A_769 = tpu.vector_load %get3A_767[%get3A_768] {strides = array<i32>} : memref<32768xf32, #tpu.memory_space<vmem>>, vector<16xf32>,
      %get3A_770 = vector.shape_cast %get3A_769 : vector<16xf32> to vector<16xf32>
      %max3A_771 = arith.maximumf %get3A_650, %get3A_658 : vector<16xf32>
      %max3A_772 = arith.maximumf %get3A_666, %get3A_674 : vector<16xf32>
      %max3A_773 = arith.maximumf %max3A_771, %max3A_772 : vector<16xf32>
      %max3A_774 = arith.maximumf %get3A_682, %get3A_690 : vector<16xf32>
      %max3A_775 = arith.maximumf %get3A_698, %get3A_706 : vector<16xf32>
      %max3A_776 = arith.maximumf %max3A_774, %max3A_775 : vector<16xf32>
      %max3A_777 = arith.maximumf %get3A_714, %get3A_722 : vector<16xf32>
      %max3A_778 = arith.maximumf %get3A_730, %get3A_738 : vector<16xf32>
      %max3A_779 = arith.maximumf %max3A_777, %max3A_778 : vector<16xf32>
      %max3A_780 = arith.maximumf %get3A_746, %get3A_754 : vector<16xf32>
      %max3A_781 = arith.maximumf %get3A_762, %get3A_770 : vector<16xf32>
      %max3A_782 = arith.maximumf %max3A_780, %max3A_781 : vector<16xf32>
      %min3A_783 = arith.minimumf %get3A_650, %get3A_658 : vector<16xf32>
      %min3A_784 = arith.minimumf %get3A_666, %get3A_674 : vector<16xf32>
      %min3A_785 = arith.minimumf %min3A_783, %min3A_784 : vector<16xf32>
      %min3A_786 = arith.minimumf %get3A_682, %get3A_690 : vector<16xf32>
      %min3A_787 = arith.minimumf %get3A_698, %get3A_706 : vector<16xf32>
      %min3A_788 = arith.minimumf %min3A_786, %min3A_787 : vector<16xf32>
      %min3A_789 = arith.minimumf %get3A_714, %get3A_722 : vector<16xf32>
      %min3A_790 = arith.minimumf %get3A_730, %get3A_738 : vector<16xf32>
      %min3A_791 = arith.minimumf %min3A_789, %min3A_790 : vector<16xf32>
      %min3A_792 = arith.minimumf %get3A_746, %get3A_754 : vector<16xf32>
      %min3A_793 = arith.minimumf %get3A_762, %get3A_770 : vector<16xf32>
      %min3A_794 = arith.minimumf %min3A_792, %min3A_793 : vector<16xf32>
      %max3A_795 = arith.maximumf %scan3A_633, %max3A_773 : vector<16xf32>
      %max3A_796 = arith.maximumf %scan3A_634, %max3A_776 : vector<16xf32>
      %max3A_797 = arith.maximumf %scan3A_635, %max3A_779 : vector<16xf32>
      %max3A_798 = arith.maximumf %scan3A_636, %max3A_782 : vector<16xf32>
      %min3A_799 = arith.minimumf %scan3A_637, %min3A_785 : vector<16xf32>
      %min3A_800 = arith.minimumf %scan3A_638, %min3A_788 : vector<16xf32>
      %min3A_801 = arith.minimumf %scan3A_639, %min3A_791 : vector<16xf32>
      %min3A_802 = arith.minimumf %scan3A_640, %min3A_794 : vector<16xf32>
      scf.yield %max3A_795, %max3A_796, %max3A_797, %max3A_798, %min3A_799, %min3A_800, %min3A_801, %min3A_802 : vector<16xf32>, vector<16xf32>, vector<16xf32>, vector<16xf32>, vector<16xf32>, vector<16xf32>, vector<16xf32>, vector<16xf32>
    }
    %scan3A_59 = arith.constant 128 : i32
    %max3A = arith.maximumf %scan3A_58#0, %scan3A_58#1 : vector<16xf32>
    %max3A_60 = arith.maximumf %scan3A_58#2, %scan3A_58#3 : vector<16xf32>
    %max3A_61 = arith.maximumf %max3A, %max3A_60 : vector<16xf32>
    %min3A = arith.minimumf %scan3A_58#4, %scan3A_58#5 : vector<16xf32>
    %min3A_62 = arith.minimumf %scan3A_58#6, %scan3A_58#7 : vector<16xf32>
    %min3A_63 = arith.minimumf %min3A, %min3A_62 : vector<16xf32>
    %xor3A = arith.constant 8 : i32
    %xor3A_64 = vector.broadcast %xor3A : i32 to vector<16xi32>
    %xor3A_65 = arith.xori %iota3A, %xor3A_64 : vector<16xi32>
    %lt3A = arith.constant 0 : i32
    %lt3A_66 = vector.broadcast %lt3A : i32 to vector<16xi32>
    %lt3A_67 = arith.cmpi slt, %xor3A_65, %lt3A_66 : vector<16xi32>
    %add3A_68 = arith.constant 16 : i32
    %add3A_69 = vector.broadcast %add3A_68 : i32 to vector<16xi32>
    %add3A_70 = arith.addi %xor3A_65, %add3A_69 : vector<16xi32>
    %select_n3A = arith.select %lt3A_67, %add3A_70, %xor3A_65 : vector<16xi1>, vector<16xi32>
    %broadcast_in_dim3A_71 = vector.shape_cast %select_n3A : vector<16xi32> to vector<16x1xi32>
    %gather3A = vector.shape_cast %broadcast_in_dim3A_71 : vector<16x1xi32> to vector<16xi32>
    %gather3A_72 = tpu.dynamic_gather %max3A_61[%gather3A] in [0] : vector<16xf32>, vector<16xi32> -> vector<16xf32>
    %max3A_73 = arith.maximumf %max3A_61, %gather3A_72 : vector<16xf32>
    %lt3A_74 = arith.constant 0 : i32
    %lt3A_75 = vector.broadcast %lt3A_74 : i32 to vector<16xi32>
    %lt3A_76 = arith.cmpi slt, %xor3A_65, %lt3A_75 : vector<16xi32>
    %add3A_77 = arith.constant 16 : i32
    %add3A_78 = vector.broadcast %add3A_77 : i32 to vector<16xi32>
    %add3A_79 = arith.addi %xor3A_65, %add3A_78 : vector<16xi32>
    %select_n3A_80 = arith.select %lt3A_76, %add3A_79, %xor3A_65 : vector<16xi1>, vector<16xi32>
    %broadcast_in_dim3A_81 = vector.shape_cast %select_n3A_80 : vector<16xi32> to vector<16x1xi32>
    %gather3A_82 = vector.shape_cast %broadcast_in_dim3A_81 : vector<16x1xi32> to vector<16xi32>
    %gather3A_83 = tpu.dynamic_gather %min3A_63[%gather3A_82] in [0] : vector<16xf32>, vector<16xi32> -> vector<16xf32>
    %min3A_84 = arith.minimumf %min3A_63, %gather3A_83 : vector<16xf32>
    %xor3A_85 = arith.constant 4 : i32
    %xor3A_86 = vector.broadcast %xor3A_85 : i32 to vector<16xi32>
    %xor3A_87 = arith.xori %iota3A, %xor3A_86 : vector<16xi32>
    %lt3A_88 = arith.constant 0 : i32
    %lt3A_89 = vector.broadcast %lt3A_88 : i32 to vector<16xi32>
    %lt3A_90 = arith.cmpi slt, %xor3A_87, %lt3A_89 : vector<16xi32>
    %add3A_91 = arith.constant 16 : i32
    %add3A_92 = vector.broadcast %add3A_91 : i32 to vector<16xi32>
    %add3A_93 = arith.addi %xor3A_87, %add3A_92 : vector<16xi32>
    %select_n3A_94 = arith.select %lt3A_90, %add3A_93, %xor3A_87 : vector<16xi1>, vector<16xi32>
    %broadcast_in_dim3A_95 = vector.shape_cast %select_n3A_94 : vector<16xi32> to vector<16x1xi32>
    %gather3A_96 = vector.shape_cast %broadcast_in_dim3A_95 : vector<16x1xi32> to vector<16xi32>
    %gather3A_97 = tpu.dynamic_gather %max3A_73[%gather3A_96] in [0] : vector<16xf32>, vector<16xi32> -> vector<16xf32>
    %max3A_98 = arith.maximumf %max3A_73, %gather3A_97 : vector<16xf32>
    %lt3A_99 = arith.constant 0 : i32
    %lt3A_100 = vector.broadcast %lt3A_99 : i32 to vector<16xi32>
    %lt3A_101 = arith.cmpi slt, %xor3A_87, %lt3A_100 : vector<16xi32>
    %add3A_102 = arith.constant 16 : i32
    %add3A_103 = vector.broadcast %add3A_102 : i32 to vector<16xi32>
    %add3A_104 = arith.addi %xor3A_87, %add3A_103 : vector<16xi32>
    %select_n3A_105 = arith.select %lt3A_101, %add3A_104, %xor3A_87 : vector<16xi1>, vector<16xi32>
    %broadcast_in_dim3A_106 = vector.shape_cast %select_n3A_105 : vector<16xi32> to vector<16x1xi32>
    %gather3A_107 = vector.shape_cast %broadcast_in_dim3A_106 : vector<16x1xi32> to vector<16xi32>
    %gather3A_108 = tpu.dynamic_gather %min3A_84[%gather3A_107] in [0] : vector<16xf32>, vector<16xi32> -> vector<16xf32>
    %min3A_109 = arith.minimumf %min3A_84, %gather3A_108 : vector<16xf32>
    %xor3A_110 = arith.constant 2 : i32
    %xor3A_111 = vector.broadcast %xor3A_110 : i32 to vector<16xi32>
    %xor3A_112 = arith.xori %iota3A, %xor3A_111 : vector<16xi32>
    %lt3A_113 = arith.constant 0 : i32
    %lt3A_114 = vector.broadcast %lt3A_113 : i32 to vector<16xi32>
    %lt3A_115 = arith.cmpi slt, %xor3A_112, %lt3A_114 : vector<16xi32>
    %add3A_116 = arith.constant 16 : i32
    %add3A_117 = vector.broadcast %add3A_116 : i32 to vector<16xi32>
    %add3A_118 = arith.addi %xor3A_112, %add3A_117 : vector<16xi32>
    %select_n3A_119 = arith.select %lt3A_115, %add3A_118, %xor3A_112 : vector<16xi1>, vector<16xi32>
    %broadcast_in_dim3A_120 = vector.shape_cast %select_n3A_119 : vector<16xi32> to vector<16x1xi32>
    %gather3A_121 = vector.shape_cast %broadcast_in_dim3A_120 : vector<16x1xi32> to vector<16xi32>
    %gather3A_122 = tpu.dynamic_gather %max3A_98[%gather3A_121] in [0] : vector<16xf32>, vector<16xi32> -> vector<16xf32>
    %max3A_123 = arith.maximumf %max3A_98, %gather3A_122 : vector<16xf32>
    %lt3A_124 = arith.constant 0 : i32
    %lt3A_125 = vector.broadcast %lt3A_124 : i32 to vector<16xi32>
    %lt3A_126 = arith.cmpi slt, %xor3A_112, %lt3A_125 : vector<16xi32>
    %add3A_127 = arith.constant 16 : i32
    %add3A_128 = vector.broadcast %add3A_127 : i32 to vector<16xi32>
    %add3A_129 = arith.addi %xor3A_112, %add3A_128 : vector<16xi32>
    %select_n3A_130 = arith.select %lt3A_126, %add3A_129, %xor3A_112 : vector<16xi1>, vector<16xi32>
    %broadcast_in_dim3A_131 = vector.shape_cast %select_n3A_130 : vector<16xi32> to vector<16x1xi32>
    %gather3A_132 = vector.shape_cast %broadcast_in_dim3A_131 : vector<16x1xi32> to vector<16xi32>
    %gather3A_133 = tpu.dynamic_gather %min3A_109[%gather3A_132] in [0] : vector<16xf32>, vector<16xi32> -> vector<16xf32>
    %min3A_134 = arith.minimumf %min3A_109, %gather3A_133 : vector<16xf32>
    %xor3A_135 = arith.constant 1 : i32
    %xor3A_136 = vector.broadcast %xor3A_135 : i32 to vector<16xi32>
    %xor3A_137 = arith.xori %iota3A, %xor3A_136 : vector<16xi32>
    %lt3A_138 = arith.constant 0 : i32
    %lt3A_139 = vector.broadcast %lt3A_138 : i32 to vector<16xi32>
    %lt3A_140 = arith.cmpi slt, %xor3A_137, %lt3A_139 : vector<16xi32>
    %add3A_141 = arith.constant 16 : i32
    %add3A_142 = vector.broadcast %add3A_141 : i32 to vector<16xi32>
    %add3A_143 = arith.addi %xor3A_137, %add3A_142 : vector<16xi32>
    %select_n3A_144 = arith.select %lt3A_140, %add3A_143, %xor3A_137 : vector<16xi1>, vector<16xi32>
    %broadcast_in_dim3A_145 = vector.shape_cast %select_n3A_144 : vector<16xi32> to vector<16x1xi32>
    %gather3A_146 = vector.shape_cast %broadcast_in_dim3A_145 : vector<16x1xi32> to vector<16xi32>
    %gather3A_147 = tpu.dynamic_gather %max3A_123[%gather3A_146] in [0] : vector<16xf32>, vector<16xi32> -> vector<16xf32>
    %max3A_148 = arith.maximumf %max3A_123, %gather3A_147 : vector<16xf32>
    %lt3A_149 = arith.constant 0 : i32
    %lt3A_150 = vector.broadcast %lt3A_149 : i32 to vector<16xi32>
    %lt3A_151 = arith.cmpi slt, %xor3A_137, %lt3A_150 : vector<16xi32>
    %add3A_152 = arith.constant 16 : i32
    %add3A_153 = vector.broadcast %add3A_152 : i32 to vector<16xi32>
    %add3A_154 = arith.addi %xor3A_137, %add3A_153 : vector<16xi32>
    %select_n3A_155 = arith.select %lt3A_151, %add3A_154, %xor3A_137 : vector<16xi1>, vector<16xi32>
    %broadcast_in_dim3A_156 = vector.shape_cast %select_n3A_155 : vector<16xi32> to vector<16x1xi32>
    %gather3A_157 = vector.shape_cast %broadcast_in_dim3A_156 : vector<16x1xi32> to vector<16xi32>
    %gather3A_158 = tpu.dynamic_gather %min3A_134[%gather3A_157] in [0] : vector<16xf32>, vector<16xi32> -> vector<16xf32>
    %min3A_159 = arith.minimumf %min3A_134, %gather3A_158 : vector<16xf32>
    %neg3A = arith.constant 0.000000e+00 : f32
    %neg3A_160 = vector.broadcast %neg3A : f32 to vector<16xf32>
    %neg3A_161 = arith.subf %neg3A_160, %min3A_159 : vector<16xf32>
    %ge3A = arith.cmpf oge, %max3A_148, %neg3A_161 : vector<16xf32>
    %select_n3A_162 = arith.select %ge3A, %max3A_148, %min3A_159 : vector<16xi1>, vector<16xf32>
    %eq3A = arith.constant 0 : i32
    %eq3A_163 = vector.broadcast %eq3A : i32 to vector<16xi32>
    %eq3A_164 = arith.cmpi eq, %iota3A, %eq3A_163 : vector<16xi32>
    %select_n3A_165 = arith.select %eq3A_164, %select_n3A_162, %broadcast_in_dim3A_20 : vector<16xi1>, vector<16xf32>
    %add3A_166 = arith.constant 1 : i32
    %add3A_167 = arith.addi %mul3A_2, %add3A_166 : i32
    %add3A_168 = arith.constant 1 : i32
    %add3A_169 = arith.addi %add3A_167, %add3A_168 : i32
    %dma_start3A_170 = arith.constant 0 : i32
    %dma_start3A_171 = arith.constant 0 : i32
    %dma_start3A_172 = tpu.memref_slice %arg5[%dma_start3A_170, %dma_start3A_171] : memref<2x32768xf32, #tpu.memory_space<vmem>> -> memref<1x32768xf32, #tpu.memory_space<vmem>>
    %dma_start3A_173 = tpu.memref_squeeze %dma_start3A_172 : memref<1x32768xf32, #tpu.memory_space<vmem>> -> memref<32768xf32, #tpu.memory_space<vmem>>
    %dma_start3A_174 = arith.constant 0 : i32
    %dma_start3A_175 = tpu.memref_slice %arg3[%add3A_169, %dma_start3A_174] : memref<128x32768xf32, #tpu.memory_space<hbm>> -> memref<1x32768xf32, #tpu.memory_space<hbm>>
    %dma_start3A_176 = tpu.memref_squeeze %dma_start3A_175 : memref<1x32768xf32, #tpu.memory_space<hbm>> -> memref<32768xf32, #tpu.memory_space<hbm>>
    %dma_start3A_177 = arith.constant 0 : i32
    %dma_start3A_178 = tpu.memref_slice %arg5[%dma_start3A_170, %dma_start3A_177] : memref<2x32768xf32, #tpu.memory_space<vmem>> -> memref<1x32768xf32, #tpu.memory_space<vmem>>
    %dma_start3A_179 = tpu.memref_squeeze %dma_start3A_178 : memref<1x32768xf32, #tpu.memory_space<vmem>> -> memref<32768xf32, #tpu.memory_space<vmem>>
    %dma_start3A_180 = arith.constant 0 : i32
    %dma_start3A_181 = tpu.memref_slice %arg3[%add3A_169, %dma_start3A_180] : memref<128x32768xf32, #tpu.memory_space<hbm>> -> memref<1x32768xf32, #tpu.memory_space<hbm>>
    %dma_start3A_182 = tpu.memref_squeeze %dma_start3A_181 : memref<1x32768xf32, #tpu.memory_space<hbm>> -> memref<32768xf32, #tpu.memory_space<hbm>>
    tpu.enqueue_dma source(%dma_start3A_182 : memref<32768xf32, #tpu.memory_space<hbm>>) target(%dma_start3A_179 : memref<32768xf32, #tpu.memory_space<vmem>>) target_semaphore(%arg8 : memref<!tpu.dma_semaphore, #tpu.memory_space<semaphore_mem>>)
    %dma_wait3A_183 = arith.constant 1 : i32
    %dma_wait3A_184 = arith.constant 0 : i32
    %dma_wait3A_185 = tpu.memref_slice %arg5[%dma_wait3A_183, %dma_wait3A_184] : memref<2x32768xf32, #tpu.memory_space<vmem>> -> memref<1x32768xf32, #tpu.memory_space<vmem>>
    %dma_wait3A_186 = tpu.memref_squeeze %dma_wait3A_185 : memref<1x32768xf32, #tpu.memory_space<vmem>> -> memref<32768xf32, #tpu.memory_space<vmem>>
    %dma_wait3A_187 = arith.constant 0 : i32
    %dma_wait3A_188 = tpu.memref_slice %arg3[%add3A_24, %dma_wait3A_187] : memref<128x32768xf32, #tpu.memory_space<hbm>> -> memref<1x32768xf32, #tpu.memory_space<hbm>>
    %dma_wait3A_189 = tpu.memref_squeeze %dma_wait3A_188 : memref<1x32768xf32, #tpu.memory_space<hbm>> -> memref<32768xf32, #tpu.memory_space<hbm>>
    %dma_wait3A_190 = arith.constant 0 : i32
    %dma_wait3A_191 = tpu.memref_slice %arg5[%dma_wait3A_183, %dma_wait3A_190] : memref<2x32768xf32, #tpu.memory_space<vmem>> -> memref<1x32768xf32, #tpu.memory_space<vmem>>
    %dma_wait3A_192 = tpu.memref_squeeze %dma_wait3A_191 : memref<1x32768xf32, #tpu.memory_space<vmem>> -> memref<32768xf32, #tpu.memory_space<vmem>>
    %dma_wait3A_193 = arith.constant 0 : i32
    %dma_wait3A_194 = tpu.memref_slice %arg3[%add3A_24, %dma_wait3A_193] : memref<128x32768xf32, #tpu.memory_space<hbm>> -> memref<1x32768xf32, #tpu.memory_space<hbm>>
    %dma_wait3A_195 = tpu.memref_squeeze %dma_wait3A_194 : memref<1x32768xf32, #tpu.memory_space<hbm>> -> memref<32768xf32, #tpu.memory_space<hbm>>
    tpu.wait_dma2 semaphore(%arg9 : memref<!tpu.dma_semaphore, #tpu.memory_space<semaphore_mem>>) src(%dma_wait3A_195 : memref<32768xf32, #tpu.memory_space<hbm>>) dst(%dma_wait3A_192 : memref<32768xf32, #tpu.memory_space<vmem>>)
    %broadcast_in_dim3A_196 = arith.constant -3.40282347E+38 : f32
    %broadcast_in_dim3A_197 = vector.broadcast %broadcast_in_dim3A_196 : f32 to vector<16xf32>
    %broadcast_in_dim3A_198 = arith.constant 3.40282347E+38 : f32
    %broadcast_in_dim3A_199 = vector.broadcast %broadcast_in_dim3A_198 : f32 to vector<16xf32>
    %scan3A_200 = arith.constant 1 : i32
    %scan3A_201 = arith.constant 0 : i32
    %scan3A_202 = arith.constant 128 : i32
    %scan3A_203 = arith.addi %scan3A_201, %scan3A_202 : i32
    %scan3A_204 = arith.constant 1 : i32
    %scan3A_205:8 = scf.for %scan3A_632 = %scan3A_201 to %scan3A_203 step %scan3A_204 iter_args(%scan3A_633 = %broadcast_in_dim3A_197, %scan3A_634 = %broadcast_in_dim3A_197, %scan3A_635 = %broadcast_in_dim3A_197, %scan3A_636 = %broadcast_in_dim3A_197, %scan3A_637 = %broadcast_in_dim3A_199, %scan3A_638 = %broadcast_in_dim3A_199, %scan3A_639 = %broadcast_in_dim3A_199, %scan3A_640 = %broadcast_in_dim3A_199) -> (vector<16xf32>, vector<16xf32>, vector<16xf32>, vector<16xf32>, vector<16xf32>, vector<16xf32>, vector<16xf32>, vector<16xf32>)  : i32 {
      %mul3A_641 = arith.constant 256 : i32
      %mul3A_642 = arith.muli %scan3A_632, %mul3A_641 : i32
      %add3A_643 = arith.constant 0 : i32
      %add3A_644 = arith.addi %mul3A_642, %add3A_643 : i32
      %get3A_645 = arith.constant 0 : i32
      %get3A_646 = tpu.memref_slice %arg5[%scan3A_200, %get3A_645] : memref<2x32768xf32, #tpu.memory_space<vmem>> -> memref<1x32768xf32, #tpu.memory_space<vmem>>
      %get3A_647 = tpu.memref_squeeze %get3A_646 : memref<1x32768xf32, #tpu.memory_space<vmem>> -> memref<32768xf32, #tpu.memory_space<vmem>>
      %get3A_648 = arith.index_cast %add3A_644 : i32 to index
      %get3A_649 = tpu.vector_load %get3A_647[%get3A_648] {strides = array<i32>} : memref<32768xf32, #tpu.memory_space<vmem>>, vector<16xf32>,
      %get3A_650 = vector.shape_cast %get3A_649 : vector<16xf32> to vector<16xf32>
      %add3A_651 = arith.constant 16 : i32
      %add3A_652 = arith.addi %mul3A_642, %add3A_651 : i32
      %get3A_653 = arith.constant 0 : i32
      %get3A_654 = tpu.memref_slice %arg5[%scan3A_200, %get3A_653] : memref<2x32768xf32, #tpu.memory_space<vmem>> -> memref<1x32768xf32, #tpu.memory_space<vmem>>
      %get3A_655 = tpu.memref_squeeze %get3A_654 : memref<1x32768xf32, #tpu.memory_space<vmem>> -> memref<32768xf32, #tpu.memory_space<vmem>>
      %get3A_656 = arith.index_cast %add3A_652 : i32 to index
      %get3A_657 = tpu.vector_load %get3A_655[%get3A_656] {strides = array<i32>} : memref<32768xf32, #tpu.memory_space<vmem>>, vector<16xf32>,
      %get3A_658 = vector.shape_cast %get3A_657 : vector<16xf32> to vector<16xf32>
      %add3A_659 = arith.constant 32 : i32
      %add3A_660 = arith.addi %mul3A_642, %add3A_659 : i32
      %get3A_661 = arith.constant 0 : i32
      %get3A_662 = tpu.memref_slice %arg5[%scan3A_200, %get3A_661] : memref<2x32768xf32, #tpu.memory_space<vmem>> -> memref<1x32768xf32, #tpu.memory_space<vmem>>
      %get3A_663 = tpu.memref_squeeze %get3A_662 : memref<1x32768xf32, #tpu.memory_space<vmem>> -> memref<32768xf32, #tpu.memory_space<vmem>>
      %get3A_664 = arith.index_cast %add3A_660 : i32 to index
      %get3A_665 = tpu.vector_load %get3A_663[%get3A_664] {strides = array<i32>} : memref<32768xf32, #tpu.memory_space<vmem>>, vector<16xf32>,
      %get3A_666 = vector.shape_cast %get3A_665 : vector<16xf32> to vector<16xf32>
      %add3A_667 = arith.constant 48 : i32
      %add3A_668 = arith.addi %mul3A_642, %add3A_667 : i32
      %get3A_669 = arith.constant 0 : i32
      %get3A_670 = tpu.memref_slice %arg5[%scan3A_200, %get3A_669] : memref<2x32768xf32, #tpu.memory_space<vmem>> -> memref<1x32768xf32, #tpu.memory_space<vmem>>
      %get3A_671 = tpu.memref_squeeze %get3A_670 : memref<1x32768xf32, #tpu.memory_space<vmem>> -> memref<32768xf32, #tpu.memory_space<vmem>>
      %get3A_672 = arith.index_cast %add3A_668 : i32 to index
      %get3A_673 = tpu.vector_load %get3A_671[%get3A_672] {strides = array<i32>} : memref<32768xf32, #tpu.memory_space<vmem>>, vector<16xf32>,
      %get3A_674 = vector.shape_cast %get3A_673 : vector<16xf32> to vector<16xf32>
      %add3A_675 = arith.constant 64 : i32
      %add3A_676 = arith.addi %mul3A_642, %add3A_675 : i32
      %get3A_677 = arith.constant 0 : i32
      %get3A_678 = tpu.memref_slice %arg5[%scan3A_200, %get3A_677] : memref<2x32768xf32, #tpu.memory_space<vmem>> -> memref<1x32768xf32, #tpu.memory_space<vmem>>
      %get3A_679 = tpu.memref_squeeze %get3A_678 : memref<1x32768xf32, #tpu.memory_space<vmem>> -> memref<32768xf32, #tpu.memory_space<vmem>>
      %get3A_680 = arith.index_cast %add3A_676 : i32 to index
      %get3A_681 = tpu.vector_load %get3A_679[%get3A_680] {strides = array<i32>} : memref<32768xf32, #tpu.memory_space<vmem>>, vector<16xf32>,
      %get3A_682 = vector.shape_cast %get3A_681 : vector<16xf32> to vector<16xf32>
      %add3A_683 = arith.constant 80 : i32
      %add3A_684 = arith.addi %mul3A_642, %add3A_683 : i32
      %get3A_685 = arith.constant 0 : i32
      %get3A_686 = tpu.memref_slice %arg5[%scan3A_200, %get3A_685] : memref<2x32768xf32, #tpu.memory_space<vmem>> -> memref<1x32768xf32, #tpu.memory_space<vmem>>
      %get3A_687 = tpu.memref_squeeze %get3A_686 : memref<1x32768xf32, #tpu.memory_space<vmem>> -> memref<32768xf32, #tpu.memory_space<vmem>>
      %get3A_688 = arith.index_cast %add3A_684 : i32 to index
      %get3A_689 = tpu.vector_load %get3A_687[%get3A_688] {strides = array<i32>} : memref<32768xf32, #tpu.memory_space<vmem>>, vector<16xf32>,
      %get3A_690 = vector.shape_cast %get3A_689 : vector<16xf32> to vector<16xf32>
      %add3A_691 = arith.constant 96 : i32
      %add3A_692 = arith.addi %mul3A_642, %add3A_691 : i32
      %get3A_693 = arith.constant 0 : i32
      %get3A_694 = tpu.memref_slice %arg5[%scan3A_200, %get3A_693] : memref<2x32768xf32, #tpu.memory_space<vmem>> -> memref<1x32768xf32, #tpu.memory_space<vmem>>
      %get3A_695 = tpu.memref_squeeze %get3A_694 : memref<1x32768xf32, #tpu.memory_space<vmem>> -> memref<32768xf32, #tpu.memory_space<vmem>>
      %get3A_696 = arith.index_cast %add3A_692 : i32 to index
      %get3A_697 = tpu.vector_load %get3A_695[%get3A_696] {strides = array<i32>} : memref<32768xf32, #tpu.memory_space<vmem>>, vector<16xf32>,
      %get3A_698 = vector.shape_cast %get3A_697 : vector<16xf32> to vector<16xf32>
      %add3A_699 = arith.constant 112 : i32
      %add3A_700 = arith.addi %mul3A_642, %add3A_699 : i32
      %get3A_701 = arith.constant 0 : i32
      %get3A_702 = tpu.memref_slice %arg5[%scan3A_200, %get3A_701] : memref<2x32768xf32, #tpu.memory_space<vmem>> -> memref<1x32768xf32, #tpu.memory_space<vmem>>
      %get3A_703 = tpu.memref_squeeze %get3A_702 : memref<1x32768xf32, #tpu.memory_space<vmem>> -> memref<32768xf32, #tpu.memory_space<vmem>>
      %get3A_704 = arith.index_cast %add3A_700 : i32 to index
      %get3A_705 = tpu.vector_load %get3A_703[%get3A_704] {strides = array<i32>} : memref<32768xf32, #tpu.memory_space<vmem>>, vector<16xf32>,
      %get3A_706 = vector.shape_cast %get3A_705 : vector<16xf32> to vector<16xf32>
      %add3A_707 = arith.constant 128 : i32
      %add3A_708 = arith.addi %mul3A_642, %add3A_707 : i32
      %get3A_709 = arith.constant 0 : i32
      %get3A_710 = tpu.memref_slice %arg5[%scan3A_200, %get3A_709] : memref<2x32768xf32, #tpu.memory_space<vmem>> -> memref<1x32768xf32, #tpu.memory_space<vmem>>
      %get3A_711 = tpu.memref_squeeze %get3A_710 : memref<1x32768xf32, #tpu.memory_space<vmem>> -> memref<32768xf32, #tpu.memory_space<vmem>>
      %get3A_712 = arith.index_cast %add3A_708 : i32 to index
      %get3A_713 = tpu.vector_load %get3A_711[%get3A_712] {strides = array<i32>} : memref<32768xf32, #tpu.memory_space<vmem>>, vector<16xf32>,
      %get3A_714 = vector.shape_cast %get3A_713 : vector<16xf32> to vector<16xf32>
      %add3A_715 = arith.constant 144 : i32
      %add3A_716 = arith.addi %mul3A_642, %add3A_715 : i32
      %get3A_717 = arith.constant 0 : i32
      %get3A_718 = tpu.memref_slice %arg5[%scan3A_200, %get3A_717] : memref<2x32768xf32, #tpu.memory_space<vmem>> -> memref<1x32768xf32, #tpu.memory_space<vmem>>
      %get3A_719 = tpu.memref_squeeze %get3A_718 : memref<1x32768xf32, #tpu.memory_space<vmem>> -> memref<32768xf32, #tpu.memory_space<vmem>>
      %get3A_720 = arith.index_cast %add3A_716 : i32 to index
      %get3A_721 = tpu.vector_load %get3A_719[%get3A_720] {strides = array<i32>} : memref<32768xf32, #tpu.memory_space<vmem>>, vector<16xf32>,
      %get3A_722 = vector.shape_cast %get3A_721 : vector<16xf32> to vector<16xf32>
      %add3A_723 = arith.constant 160 : i32
      %add3A_724 = arith.addi %mul3A_642, %add3A_723 : i32
      %get3A_725 = arith.constant 0 : i32
      %get3A_726 = tpu.memref_slice %arg5[%scan3A_200, %get3A_725] : memref<2x32768xf32, #tpu.memory_space<vmem>> -> memref<1x32768xf32, #tpu.memory_space<vmem>>
      %get3A_727 = tpu.memref_squeeze %get3A_726 : memref<1x32768xf32, #tpu.memory_space<vmem>> -> memref<32768xf32, #tpu.memory_space<vmem>>
      %get3A_728 = arith.index_cast %add3A_724 : i32 to index
      %get3A_729 = tpu.vector_load %get3A_727[%get3A_728] {strides = array<i32>} : memref<32768xf32, #tpu.memory_space<vmem>>, vector<16xf32>,
      %get3A_730 = vector.shape_cast %get3A_729 : vector<16xf32> to vector<16xf32>
      %add3A_731 = arith.constant 176 : i32
      %add3A_732 = arith.addi %mul3A_642, %add3A_731 : i32
      %get3A_733 = arith.constant 0 : i32
      %get3A_734 = tpu.memref_slice %arg5[%scan3A_200, %get3A_733] : memref<2x32768xf32, #tpu.memory_space<vmem>> -> memref<1x32768xf32, #tpu.memory_space<vmem>>
      %get3A_735 = tpu.memref_squeeze %get3A_734 : memref<1x32768xf32, #tpu.memory_space<vmem>> -> memref<32768xf32, #tpu.memory_space<vmem>>
      %get3A_736 = arith.index_cast %add3A_732 : i32 to index
      %get3A_737 = tpu.vector_load %get3A_735[%get3A_736] {strides = array<i32>} : memref<32768xf32, #tpu.memory_space<vmem>>, vector<16xf32>,
      %get3A_738 = vector.shape_cast %get3A_737 : vector<16xf32> to vector<16xf32>
      %add3A_739 = arith.constant 192 : i32
      %add3A_740 = arith.addi %mul3A_642, %add3A_739 : i32
      %get3A_741 = arith.constant 0 : i32
      %get3A_742 = tpu.memref_slice %arg5[%scan3A_200, %get3A_741] : memref<2x32768xf32, #tpu.memory_space<vmem>> -> memref<1x32768xf32, #tpu.memory_space<vmem>>
      %get3A_743 = tpu.memref_squeeze %get3A_742 : memref<1x32768xf32, #tpu.memory_space<vmem>> -> memref<32768xf32, #tpu.memory_space<vmem>>
      %get3A_744 = arith.index_cast %add3A_740 : i32 to index
      %get3A_745 = tpu.vector_load %get3A_743[%get3A_744] {strides = array<i32>} : memref<32768xf32, #tpu.memory_space<vmem>>, vector<16xf32>,
      %get3A_746 = vector.shape_cast %get3A_745 : vector<16xf32> to vector<16xf32>
      %add3A_747 = arith.constant 208 : i32
      %add3A_748 = arith.addi %mul3A_642, %add3A_747 : i32
      %get3A_749 = arith.constant 0 : i32
      %get3A_750 = tpu.memref_slice %arg5[%scan3A_200, %get3A_749] : memref<2x32768xf32, #tpu.memory_space<vmem>> -> memref<1x32768xf32, #tpu.memory_space<vmem>>
      %get3A_751 = tpu.memref_squeeze %get3A_750 : memref<1x32768xf32, #tpu.memory_space<vmem>> -> memref<32768xf32, #tpu.memory_space<vmem>>
      %get3A_752 = arith.index_cast %add3A_748 : i32 to index
      %get3A_753 = tpu.vector_load %get3A_751[%get3A_752] {strides = array<i32>} : memref<32768xf32, #tpu.memory_space<vmem>>, vector<16xf32>,
      %get3A_754 = vector.shape_cast %get3A_753 : vector<16xf32> to vector<16xf32>
      %add3A_755 = arith.constant 224 : i32
      %add3A_756 = arith.addi %mul3A_642, %add3A_755 : i32
      %get3A_757 = arith.constant 0 : i32
      %get3A_758 = tpu.memref_slice %arg5[%scan3A_200, %get3A_757] : memref<2x32768xf32, #tpu.memory_space<vmem>> -> memref<1x32768xf32, #tpu.memory_space<vmem>>
      %get3A_759 = tpu.memref_squeeze %get3A_758 : memref<1x32768xf32, #tpu.memory_space<vmem>> -> memref<32768xf32, #tpu.memory_space<vmem>>
      %get3A_760 = arith.index_cast %add3A_756 : i32 to index
      %get3A_761 = tpu.vector_load %get3A_759[%get3A_760] {strides = array<i32>} : memref<32768xf32, #tpu.memory_space<vmem>>, vector<16xf32>,
      %get3A_762 = vector.shape_cast %get3A_761 : vector<16xf32> to vector<16xf32>
      %add3A_763 = arith.constant 240 : i32
      %add3A_764 = arith.addi %mul3A_642, %add3A_763 : i32
      %get3A_765 = arith.constant 0 : i32
      %get3A_766 = tpu.memref_slice %arg5[%scan3A_200, %get3A_765] : memref<2x32768xf32, #tpu.memory_space<vmem>> -> memref<1x32768xf32, #tpu.memory_space<vmem>>
      %get3A_767 = tpu.memref_squeeze %get3A_766 : memref<1x32768xf32, #tpu.memory_space<vmem>> -> memref<32768xf32, #tpu.memory_space<vmem>>
      %get3A_768 = arith.index_cast %add3A_764 : i32 to index
      %get3A_769 = tpu.vector_load %get3A_767[%get3A_768] {strides = array<i32>} : memref<32768xf32, #tpu.memory_space<vmem>>, vector<16xf32>,
      %get3A_770 = vector.shape_cast %get3A_769 : vector<16xf32> to vector<16xf32>
      %max3A_771 = arith.maximumf %get3A_650, %get3A_658 : vector<16xf32>
      %max3A_772 = arith.maximumf %get3A_666, %get3A_674 : vector<16xf32>
      %max3A_773 = arith.maximumf %max3A_771, %max3A_772 : vector<16xf32>
      %max3A_774 = arith.maximumf %get3A_682, %get3A_690 : vector<16xf32>
      %max3A_775 = arith.maximumf %get3A_698, %get3A_706 : vector<16xf32>
      %max3A_776 = arith.maximumf %max3A_774, %max3A_775 : vector<16xf32>
      %max3A_777 = arith.maximumf %get3A_714, %get3A_722 : vector<16xf32>
      %max3A_778 = arith.maximumf %get3A_730, %get3A_738 : vector<16xf32>
      %max3A_779 = arith.maximumf %max3A_777, %max3A_778 : vector<16xf32>
      %max3A_780 = arith.maximumf %get3A_746, %get3A_754 : vector<16xf32>
      %max3A_781 = arith.maximumf %get3A_762, %get3A_770 : vector<16xf32>
      %max3A_782 = arith.maximumf %max3A_780, %max3A_781 : vector<16xf32>
      %min3A_783 = arith.minimumf %get3A_650, %get3A_658 : vector<16xf32>
      %min3A_784 = arith.minimumf %get3A_666, %get3A_674 : vector<16xf32>
      %min3A_785 = arith.minimumf %min3A_783, %min3A_784 : vector<16xf32>
      %min3A_786 = arith.minimumf %get3A_682, %get3A_690 : vector<16xf32>
      %min3A_787 = arith.minimumf %get3A_698, %get3A_706 : vector<16xf32>
      %min3A_788 = arith.minimumf %min3A_786, %min3A_787 : vector<16xf32>
      %min3A_789 = arith.minimumf %get3A_714, %get3A_722 : vector<16xf32>
      %min3A_790 = arith.minimumf %get3A_730, %get3A_738 : vector<16xf32>
      %min3A_791 = arith.minimumf %min3A_789, %min3A_790 : vector<16xf32>
      %min3A_792 = arith.minimumf %get3A_746, %get3A_754 : vector<16xf32>
      %min3A_793 = arith.minimumf %get3A_762, %get3A_770 : vector<16xf32>
      %min3A_794 = arith.minimumf %min3A_792, %min3A_793 : vector<16xf32>
      %max3A_795 = arith.maximumf %scan3A_633, %max3A_773 : vector<16xf32>
      %max3A_796 = arith.maximumf %scan3A_634, %max3A_776 : vector<16xf32>
      %max3A_797 = arith.maximumf %scan3A_635, %max3A_779 : vector<16xf32>
      %max3A_798 = arith.maximumf %scan3A_636, %max3A_782 : vector<16xf32>
      %min3A_799 = arith.minimumf %scan3A_637, %min3A_785 : vector<16xf32>
      %min3A_800 = arith.minimumf %scan3A_638, %min3A_788 : vector<16xf32>
      %min3A_801 = arith.minimumf %scan3A_639, %min3A_791 : vector<16xf32>
      %min3A_802 = arith.minimumf %scan3A_640, %min3A_794 : vector<16xf32>
      scf.yield %max3A_795, %max3A_796, %max3A_797, %max3A_798, %min3A_799, %min3A_800, %min3A_801, %min3A_802 : vector<16xf32>, vector<16xf32>, vector<16xf32>, vector<16xf32>, vector<16xf32>, vector<16xf32>, vector<16xf32>, vector<16xf32>
    }
    %scan3A_206 = arith.constant 128 : i32
    %max3A_207 = arith.maximumf %scan3A_205#0, %scan3A_205#1 : vector<16xf32>
    %max3A_208 = arith.maximumf %scan3A_205#2, %scan3A_205#3 : vector<16xf32>
    %max3A_209 = arith.maximumf %max3A_207, %max3A_208 : vector<16xf32>
    %min3A_210 = arith.minimumf %scan3A_205#4, %scan3A_205#5 : vector<16xf32>
    %min3A_211 = arith.minimumf %scan3A_205#6, %scan3A_205#7 : vector<16xf32>
    %min3A_212 = arith.minimumf %min3A_210, %min3A_211 : vector<16xf32>
    %xor3A_213 = arith.constant 8 : i32
    %xor3A_214 = vector.broadcast %xor3A_213 : i32 to vector<16xi32>
    %xor3A_215 = arith.xori %iota3A, %xor3A_214 : vector<16xi32>
    %lt3A_216 = arith.constant 0 : i32
    %lt3A_217 = vector.broadcast %lt3A_216 : i32 to vector<16xi32>
    %lt3A_218 = arith.cmpi slt, %xor3A_215, %lt3A_217 : vector<16xi32>
    %add3A_219 = arith.constant 16 : i32
    %add3A_220 = vector.broadcast %add3A_219 : i32 to vector<16xi32>
    %add3A_221 = arith.addi %xor3A_215, %add3A_220 : vector<16xi32>
    %select_n3A_222 = arith.select %lt3A_218, %add3A_221, %xor3A_215 : vector<16xi1>, vector<16xi32>
    %broadcast_in_dim3A_223 = vector.shape_cast %select_n3A_222 : vector<16xi32> to vector<16x1xi32>
    %gather3A_224 = vector.shape_cast %broadcast_in_dim3A_223 : vector<16x1xi32> to vector<16xi32>
    %gather3A_225 = tpu.dynamic_gather %max3A_209[%gather3A_224] in [0] : vector<16xf32>, vector<16xi32> -> vector<16xf32>
    %max3A_226 = arith.maximumf %max3A_209, %gather3A_225 : vector<16xf32>
    %lt3A_227 = arith.constant 0 : i32
    %lt3A_228 = vector.broadcast %lt3A_227 : i32 to vector<16xi32>
    %lt3A_229 = arith.cmpi slt, %xor3A_215, %lt3A_228 : vector<16xi32>
    %add3A_230 = arith.constant 16 : i32
    %add3A_231 = vector.broadcast %add3A_230 : i32 to vector<16xi32>
    %add3A_232 = arith.addi %xor3A_215, %add3A_231 : vector<16xi32>
    %select_n3A_233 = arith.select %lt3A_229, %add3A_232, %xor3A_215 : vector<16xi1>, vector<16xi32>
    %broadcast_in_dim3A_234 = vector.shape_cast %select_n3A_233 : vector<16xi32> to vector<16x1xi32>
    %gather3A_235 = vector.shape_cast %broadcast_in_dim3A_234 : vector<16x1xi32> to vector<16xi32>
    %gather3A_236 = tpu.dynamic_gather %min3A_212[%gather3A_235] in [0] : vector<16xf32>, vector<16xi32> -> vector<16xf32>
    %min3A_237 = arith.minimumf %min3A_212, %gather3A_236 : vector<16xf32>
    %xor3A_238 = arith.constant 4 : i32
    %xor3A_239 = vector.broadcast %xor3A_238 : i32 to vector<16xi32>
    %xor3A_240 = arith.xori %iota3A, %xor3A_239 : vector<16xi32>
    %lt3A_241 = arith.constant 0 : i32
    %lt3A_242 = vector.broadcast %lt3A_241 : i32 to vector<16xi32>
    %lt3A_243 = arith.cmpi slt, %xor3A_240, %lt3A_242 : vector<16xi32>
    %add3A_244 = arith.constant 16 : i32
    %add3A_245 = vector.broadcast %add3A_244 : i32 to vector<16xi32>
    %add3A_246 = arith.addi %xor3A_240, %add3A_245 : vector<16xi32>
    %select_n3A_247 = arith.select %lt3A_243, %add3A_246, %xor3A_240 : vector<16xi1>, vector<16xi32>
    %broadcast_in_dim3A_248 = vector.shape_cast %select_n3A_247 : vector<16xi32> to vector<16x1xi32>
    %gather3A_249 = vector.shape_cast %broadcast_in_dim3A_248 : vector<16x1xi32> to vector<16xi32>
    %gather3A_250 = tpu.dynamic_gather %max3A_226[%gather3A_249] in [0] : vector<16xf32>, vector<16xi32> -> vector<16xf32>
    %max3A_251 = arith.maximumf %max3A_226, %gather3A_250 : vector<16xf32>
    %lt3A_252 = arith.constant 0 : i32
    %lt3A_253 = vector.broadcast %lt3A_252 : i32 to vector<16xi32>
    %lt3A_254 = arith.cmpi slt, %xor3A_240, %lt3A_253 : vector<16xi32>
    %add3A_255 = arith.constant 16 : i32
    %add3A_256 = vector.broadcast %add3A_255 : i32 to vector<16xi32>
    %add3A_257 = arith.addi %xor3A_240, %add3A_256 : vector<16xi32>
    %select_n3A_258 = arith.select %lt3A_254, %add3A_257, %xor3A_240 : vector<16xi1>, vector<16xi32>
    %broadcast_in_dim3A_259 = vector.shape_cast %select_n3A_258 : vector<16xi32> to vector<16x1xi32>
    %gather3A_260 = vector.shape_cast %broadcast_in_dim3A_259 : vector<16x1xi32> to vector<16xi32>
    %gather3A_261 = tpu.dynamic_gather %min3A_237[%gather3A_260] in [0] : vector<16xf32>, vector<16xi32> -> vector<16xf32>
    %min3A_262 = arith.minimumf %min3A_237, %gather3A_261 : vector<16xf32>
    %xor3A_263 = arith.constant 2 : i32
    %xor3A_264 = vector.broadcast %xor3A_263 : i32 to vector<16xi32>
    %xor3A_265 = arith.xori %iota3A, %xor3A_264 : vector<16xi32>
    %lt3A_266 = arith.constant 0 : i32
    %lt3A_267 = vector.broadcast %lt3A_266 : i32 to vector<16xi32>
    %lt3A_268 = arith.cmpi slt, %xor3A_265, %lt3A_267 : vector<16xi32>
    %add3A_269 = arith.constant 16 : i32
    %add3A_270 = vector.broadcast %add3A_269 : i32 to vector<16xi32>
    %add3A_271 = arith.addi %xor3A_265, %add3A_270 : vector<16xi32>
    %select_n3A_272 = arith.select %lt3A_268, %add3A_271, %xor3A_265 : vector<16xi1>, vector<16xi32>
    %broadcast_in_dim3A_273 = vector.shape_cast %select_n3A_272 : vector<16xi32> to vector<16x1xi32>
    %gather3A_274 = vector.shape_cast %broadcast_in_dim3A_273 : vector<16x1xi32> to vector<16xi32>
    %gather3A_275 = tpu.dynamic_gather %max3A_251[%gather3A_274] in [0] : vector<16xf32>, vector<16xi32> -> vector<16xf32>
    %max3A_276 = arith.maximumf %max3A_251, %gather3A_275 : vector<16xf32>
    %lt3A_277 = arith.constant 0 : i32
    %lt3A_278 = vector.broadcast %lt3A_277 : i32 to vector<16xi32>
    %lt3A_279 = arith.cmpi slt, %xor3A_265, %lt3A_278 : vector<16xi32>
    %add3A_280 = arith.constant 16 : i32
    %add3A_281 = vector.broadcast %add3A_280 : i32 to vector<16xi32>
    %add3A_282 = arith.addi %xor3A_265, %add3A_281 : vector<16xi32>
    %select_n3A_283 = arith.select %lt3A_279, %add3A_282, %xor3A_265 : vector<16xi1>, vector<16xi32>
    %broadcast_in_dim3A_284 = vector.shape_cast %select_n3A_283 : vector<16xi32> to vector<16x1xi32>
    %gather3A_285 = vector.shape_cast %broadcast_in_dim3A_284 : vector<16x1xi32> to vector<16xi32>
    %gather3A_286 = tpu.dynamic_gather %min3A_262[%gather3A_285] in [0] : vector<16xf32>, vector<16xi32> -> vector<16xf32>
    %min3A_287 = arith.minimumf %min3A_262, %gather3A_286 : vector<16xf32>
    %xor3A_288 = arith.constant 1 : i32
    %xor3A_289 = vector.broadcast %xor3A_288 : i32 to vector<16xi32>
    %xor3A_290 = arith.xori %iota3A, %xor3A_289 : vector<16xi32>
    %lt3A_291 = arith.constant 0 : i32
    %lt3A_292 = vector.broadcast %lt3A_291 : i32 to vector<16xi32>
    %lt3A_293 = arith.cmpi slt, %xor3A_290, %lt3A_292 : vector<16xi32>
    %add3A_294 = arith.constant 16 : i32
    %add3A_295 = vector.broadcast %add3A_294 : i32 to vector<16xi32>
    %add3A_296 = arith.addi %xor3A_290, %add3A_295 : vector<16xi32>
    %select_n3A_297 = arith.select %lt3A_293, %add3A_296, %xor3A_290 : vector<16xi1>, vector<16xi32>
    %broadcast_in_dim3A_298 = vector.shape_cast %select_n3A_297 : vector<16xi32> to vector<16x1xi32>
    %gather3A_299 = vector.shape_cast %broadcast_in_dim3A_298 : vector<16x1xi32> to vector<16xi32>
    %gather3A_300 = tpu.dynamic_gather %max3A_276[%gather3A_299] in [0] : vector<16xf32>, vector<16xi32> -> vector<16xf32>
    %max3A_301 = arith.maximumf %max3A_276, %gather3A_300 : vector<16xf32>
    %lt3A_302 = arith.constant 0 : i32
    %lt3A_303 = vector.broadcast %lt3A_302 : i32 to vector<16xi32>
    %lt3A_304 = arith.cmpi slt, %xor3A_290, %lt3A_303 : vector<16xi32>
    %add3A_305 = arith.constant 16 : i32
    %add3A_306 = vector.broadcast %add3A_305 : i32 to vector<16xi32>
    %add3A_307 = arith.addi %xor3A_290, %add3A_306 : vector<16xi32>
    %select_n3A_308 = arith.select %lt3A_304, %add3A_307, %xor3A_290 : vector<16xi1>, vector<16xi32>
    %broadcast_in_dim3A_309 = vector.shape_cast %select_n3A_308 : vector<16xi32> to vector<16x1xi32>
    %gather3A_310 = vector.shape_cast %broadcast_in_dim3A_309 : vector<16x1xi32> to vector<16xi32>
    %gather3A_311 = tpu.dynamic_gather %min3A_287[%gather3A_310] in [0] : vector<16xf32>, vector<16xi32> -> vector<16xf32>
    %min3A_312 = arith.minimumf %min3A_287, %gather3A_311 : vector<16xf32>
    %neg3A_313 = arith.constant 0.000000e+00 : f32
    %neg3A_314 = vector.broadcast %neg3A_313 : f32 to vector<16xf32>
    %neg3A_315 = arith.subf %neg3A_314, %min3A_312 : vector<16xf32>
    %ge3A_316 = arith.cmpf oge, %max3A_301, %neg3A_315 : vector<16xf32>
    %select_n3A_317 = arith.select %ge3A_316, %max3A_301, %min3A_312 : vector<16xi1>, vector<16xf32>
    %eq3A_318 = arith.constant 1 : i32
    %eq3A_319 = vector.broadcast %eq3A_318 : i32 to vector<16xi32>
    %eq3A_320 = arith.cmpi eq, %iota3A, %eq3A_319 : vector<16xi32>
    %select_n3A_321 = arith.select %eq3A_320, %select_n3A_317, %select_n3A_165 : vector<16xi1>, vector<16xf32>
    %add3A_322 = arith.constant 2 : i32
    %add3A_323 = arith.addi %mul3A_2, %add3A_322 : i32
    %add3A_324 = arith.constant 1 : i32
    %add3A_325 = arith.addi %add3A_323, %add3A_324 : i32
    %dma_start3A_326 = arith.constant 1 : i32
    %dma_start3A_327 = arith.constant 0 : i32
    %dma_start3A_328 = tpu.memref_slice %arg5[%dma_start3A_326, %dma_start3A_327] : memref<2x32768xf32, #tpu.memory_space<vmem>> -> memref<1x32768xf32, #tpu.memory_space<vmem>>
    %dma_start3A_329 = tpu.memref_squeeze %dma_start3A_328 : memref<1x32768xf32, #tpu.memory_space<vmem>> -> memref<32768xf32, #tpu.memory_space<vmem>>
    %dma_start3A_330 = arith.constant 0 : i32
    %dma_start3A_331 = tpu.memref_slice %arg3[%add3A_325, %dma_start3A_330] : memref<128x32768xf32, #tpu.memory_space<hbm>> -> memref<1x32768xf32, #tpu.memory_space<hbm>>
    %dma_start3A_332 = tpu.memref_squeeze %dma_start3A_331 : memref<1x32768xf32, #tpu.memory_space<hbm>> -> memref<32768xf32, #tpu.memory_space<hbm>>
    %dma_start3A_333 = arith.constant 0 : i32
    %dma_start3A_334 = tpu.memref_slice %arg5[%dma_start3A_326, %dma_start3A_333] : memref<2x32768xf32, #tpu.memory_space<vmem>> -> memref<1x32768xf32, #tpu.memory_space<vmem>>
    %dma_start3A_335 = tpu.memref_squeeze %dma_start3A_334 : memref<1x32768xf32, #tpu.memory_space<vmem>> -> memref<32768xf32, #tpu.memory_space<vmem>>
    %dma_start3A_336 = arith.constant 0 : i32
    %dma_start3A_337 = tpu.memref_slice %arg3[%add3A_325, %dma_start3A_336] : memref<128x32768xf32, #tpu.memory_space<hbm>> -> memref<1x32768xf32, #tpu.memory_space<hbm>>
    %dma_start3A_338 = tpu.memref_squeeze %dma_start3A_337 : memref<1x32768xf32, #tpu.memory_space<hbm>> -> memref<32768xf32, #tpu.memory_space<hbm>>
    tpu.enqueue_dma source(%dma_start3A_338 : memref<32768xf32, #tpu.memory_space<hbm>>) target(%dma_start3A_335 : memref<32768xf32, #tpu.memory_space<vmem>>) target_semaphore(%arg9 : memref<!tpu.dma_semaphore, #tpu.memory_space<semaphore_mem>>)
    %dma_wait3A_339 = arith.constant 0 : i32
    %dma_wait3A_340 = arith.constant 0 : i32
    %dma_wait3A_341 = tpu.memref_slice %arg5[%dma_wait3A_339, %dma_wait3A_340] : memref<2x32768xf32, #tpu.memory_space<vmem>> -> memref<1x32768xf32, #tpu.memory_space<vmem>>
    %dma_wait3A_342 = tpu.memref_squeeze %dma_wait3A_341 : memref<1x32768xf32, #tpu.memory_space<vmem>> -> memref<32768xf32, #tpu.memory_space<vmem>>
    %dma_wait3A_343 = arith.constant 0 : i32
    %dma_wait3A_344 = tpu.memref_slice %arg3[%add3A_169, %dma_wait3A_343] : memref<128x32768xf32, #tpu.memory_space<hbm>> -> memref<1x32768xf32, #tpu.memory_space<hbm>>
    %dma_wait3A_345 = tpu.memref_squeeze %dma_wait3A_344 : memref<1x32768xf32, #tpu.memory_space<hbm>> -> memref<32768xf32, #tpu.memory_space<hbm>>
    %dma_wait3A_346 = arith.constant 0 : i32
    %dma_wait3A_347 = tpu.memref_slice %arg5[%dma_wait3A_339, %dma_wait3A_346] : memref<2x32768xf32, #tpu.memory_space<vmem>> -> memref<1x32768xf32, #tpu.memory_space<vmem>>
    %dma_wait3A_348 = tpu.memref_squeeze %dma_wait3A_347 : memref<1x32768xf32, #tpu.memory_space<vmem>> -> memref<32768xf32, #tpu.memory_space<vmem>>
    %dma_wait3A_349 = arith.constant 0 : i32
    %dma_wait3A_350 = tpu.memref_slice %arg3[%add3A_169, %dma_wait3A_349] : memref<128x32768xf32, #tpu.memory_space<hbm>> -> memref<1x32768xf32, #tpu.memory_space<hbm>>
    %dma_wait3A_351 = tpu.memref_squeeze %dma_wait3A_350 : memref<1x32768xf32, #tpu.memory_space<hbm>> -> memref<32768xf32, #tpu.memory_space<hbm>>
    tpu.wait_dma2 semaphore(%arg8 : memref<!tpu.dma_semaphore, #tpu.memory_space<semaphore_mem>>) src(%dma_wait3A_351 : memref<32768xf32, #tpu.memory_space<hbm>>) dst(%dma_wait3A_348 : memref<32768xf32, #tpu.memory_space<vmem>>)
    %broadcast_in_dim3A_352 = arith.constant -3.40282347E+38 : f32
    %broadcast_in_dim3A_353 = vector.broadcast %broadcast_in_dim3A_352 : f32 to vector<16xf32>
    %broadcast_in_dim3A_354 = arith.constant 3.40282347E+38 : f32
    %broadcast_in_dim3A_355 = vector.broadcast %broadcast_in_dim3A_354 : f32 to vector<16xf32>
    %scan3A_356 = arith.constant 0 : i32
    %scan3A_357 = arith.constant 0 : i32
    %scan3A_358 = arith.constant 128 : i32
    %scan3A_359 = arith.addi %scan3A_357, %scan3A_358 : i32
    %scan3A_360 = arith.constant 1 : i32
    %scan3A_361:8 = scf.for %scan3A_632 = %scan3A_357 to %scan3A_359 step %scan3A_360 iter_args(%scan3A_633 = %broadcast_in_dim3A_353, %scan3A_634 = %broadcast_in_dim3A_353, %scan3A_635 = %broadcast_in_dim3A_353, %scan3A_636 = %broadcast_in_dim3A_353, %scan3A_637 = %broadcast_in_dim3A_355, %scan3A_638 = %broadcast_in_dim3A_355, %scan3A_639 = %broadcast_in_dim3A_355, %scan3A_640 = %broadcast_in_dim3A_355) -> (vector<16xf32>, vector<16xf32>, vector<16xf32>, vector<16xf32>, vector<16xf32>, vector<16xf32>, vector<16xf32>, vector<16xf32>)  : i32 {
      %mul3A_641 = arith.constant 256 : i32
      %mul3A_642 = arith.muli %scan3A_632, %mul3A_641 : i32
      %add3A_643 = arith.constant 0 : i32
      %add3A_644 = arith.addi %mul3A_642, %add3A_643 : i32
      %get3A_645 = arith.constant 0 : i32
      %get3A_646 = tpu.memref_slice %arg5[%scan3A_356, %get3A_645] : memref<2x32768xf32, #tpu.memory_space<vmem>> -> memref<1x32768xf32, #tpu.memory_space<vmem>>
      %get3A_647 = tpu.memref_squeeze %get3A_646 : memref<1x32768xf32, #tpu.memory_space<vmem>> -> memref<32768xf32, #tpu.memory_space<vmem>>
      %get3A_648 = arith.index_cast %add3A_644 : i32 to index
      %get3A_649 = tpu.vector_load %get3A_647[%get3A_648] {strides = array<i32>} : memref<32768xf32, #tpu.memory_space<vmem>>, vector<16xf32>,
      %get3A_650 = vector.shape_cast %get3A_649 : vector<16xf32> to vector<16xf32>
      %add3A_651 = arith.constant 16 : i32
      %add3A_652 = arith.addi %mul3A_642, %add3A_651 : i32
      %get3A_653 = arith.constant 0 : i32
      %get3A_654 = tpu.memref_slice %arg5[%scan3A_356, %get3A_653] : memref<2x32768xf32, #tpu.memory_space<vmem>> -> memref<1x32768xf32, #tpu.memory_space<vmem>>
      %get3A_655 = tpu.memref_squeeze %get3A_654 : memref<1x32768xf32, #tpu.memory_space<vmem>> -> memref<32768xf32, #tpu.memory_space<vmem>>
      %get3A_656 = arith.index_cast %add3A_652 : i32 to index
      %get3A_657 = tpu.vector_load %get3A_655[%get3A_656] {strides = array<i32>} : memref<32768xf32, #tpu.memory_space<vmem>>, vector<16xf32>,
      %get3A_658 = vector.shape_cast %get3A_657 : vector<16xf32> to vector<16xf32>
      %add3A_659 = arith.constant 32 : i32
      %add3A_660 = arith.addi %mul3A_642, %add3A_659 : i32
      %get3A_661 = arith.constant 0 : i32
      %get3A_662 = tpu.memref_slice %arg5[%scan3A_356, %get3A_661] : memref<2x32768xf32, #tpu.memory_space<vmem>> -> memref<1x32768xf32, #tpu.memory_space<vmem>>
      %get3A_663 = tpu.memref_squeeze %get3A_662 : memref<1x32768xf32, #tpu.memory_space<vmem>> -> memref<32768xf32, #tpu.memory_space<vmem>>
      %get3A_664 = arith.index_cast %add3A_660 : i32 to index
      %get3A_665 = tpu.vector_load %get3A_663[%get3A_664] {strides = array<i32>} : memref<32768xf32, #tpu.memory_space<vmem>>, vector<16xf32>,
      %get3A_666 = vector.shape_cast %get3A_665 : vector<16xf32> to vector<16xf32>
      %add3A_667 = arith.constant 48 : i32
      %add3A_668 = arith.addi %mul3A_642, %add3A_667 : i32
      %get3A_669 = arith.constant 0 : i32
      %get3A_670 = tpu.memref_slice %arg5[%scan3A_356, %get3A_669] : memref<2x32768xf32, #tpu.memory_space<vmem>> -> memref<1x32768xf32, #tpu.memory_space<vmem>>
      %get3A_671 = tpu.memref_squeeze %get3A_670 : memref<1x32768xf32, #tpu.memory_space<vmem>> -> memref<32768xf32, #tpu.memory_space<vmem>>
      %get3A_672 = arith.index_cast %add3A_668 : i32 to index
      %get3A_673 = tpu.vector_load %get3A_671[%get3A_672] {strides = array<i32>} : memref<32768xf32, #tpu.memory_space<vmem>>, vector<16xf32>,
      %get3A_674 = vector.shape_cast %get3A_673 : vector<16xf32> to vector<16xf32>
      %add3A_675 = arith.constant 64 : i32
      %add3A_676 = arith.addi %mul3A_642, %add3A_675 : i32
      %get3A_677 = arith.constant 0 : i32
      %get3A_678 = tpu.memref_slice %arg5[%scan3A_356, %get3A_677] : memref<2x32768xf32, #tpu.memory_space<vmem>> -> memref<1x32768xf32, #tpu.memory_space<vmem>>
      %get3A_679 = tpu.memref_squeeze %get3A_678 : memref<1x32768xf32, #tpu.memory_space<vmem>> -> memref<32768xf32, #tpu.memory_space<vmem>>
      %get3A_680 = arith.index_cast %add3A_676 : i32 to index
      %get3A_681 = tpu.vector_load %get3A_679[%get3A_680] {strides = array<i32>} : memref<32768xf32, #tpu.memory_space<vmem>>, vector<16xf32>,
      %get3A_682 = vector.shape_cast %get3A_681 : vector<16xf32> to vector<16xf32>
      %add3A_683 = arith.constant 80 : i32
      %add3A_684 = arith.addi %mul3A_642, %add3A_683 : i32
      %get3A_685 = arith.constant 0 : i32
      %get3A_686 = tpu.memref_slice %arg5[%scan3A_356, %get3A_685] : memref<2x32768xf32, #tpu.memory_space<vmem>> -> memref<1x32768xf32, #tpu.memory_space<vmem>>
      %get3A_687 = tpu.memref_squeeze %get3A_686 : memref<1x32768xf32, #tpu.memory_space<vmem>> -> memref<32768xf32, #tpu.memory_space<vmem>>
      %get3A_688 = arith.index_cast %add3A_684 : i32 to index
      %get3A_689 = tpu.vector_load %get3A_687[%get3A_688] {strides = array<i32>} : memref<32768xf32, #tpu.memory_space<vmem>>, vector<16xf32>,
      %get3A_690 = vector.shape_cast %get3A_689 : vector<16xf32> to vector<16xf32>
      %add3A_691 = arith.constant 96 : i32
      %add3A_692 = arith.addi %mul3A_642, %add3A_691 : i32
      %get3A_693 = arith.constant 0 : i32
      %get3A_694 = tpu.memref_slice %arg5[%scan3A_356, %get3A_693] : memref<2x32768xf32, #tpu.memory_space<vmem>> -> memref<1x32768xf32, #tpu.memory_space<vmem>>
      %get3A_695 = tpu.memref_squeeze %get3A_694 : memref<1x32768xf32, #tpu.memory_space<vmem>> -> memref<32768xf32, #tpu.memory_space<vmem>>
      %get3A_696 = arith.index_cast %add3A_692 : i32 to index
      %get3A_697 = tpu.vector_load %get3A_695[%get3A_696] {strides = array<i32>} : memref<32768xf32, #tpu.memory_space<vmem>>, vector<16xf32>,
      %get3A_698 = vector.shape_cast %get3A_697 : vector<16xf32> to vector<16xf32>
      %add3A_699 = arith.constant 112 : i32
      %add3A_700 = arith.addi %mul3A_642, %add3A_699 : i32
      %get3A_701 = arith.constant 0 : i32
      %get3A_702 = tpu.memref_slice %arg5[%scan3A_356, %get3A_701] : memref<2x32768xf32, #tpu.memory_space<vmem>> -> memref<1x32768xf32, #tpu.memory_space<vmem>>
      %get3A_703 = tpu.memref_squeeze %get3A_702 : memref<1x32768xf32, #tpu.memory_space<vmem>> -> memref<32768xf32, #tpu.memory_space<vmem>>
      %get3A_704 = arith.index_cast %add3A_700 : i32 to index
      %get3A_705 = tpu.vector_load %get3A_703[%get3A_704] {strides = array<i32>} : memref<32768xf32, #tpu.memory_space<vmem>>, vector<16xf32>,
      %get3A_706 = vector.shape_cast %get3A_705 : vector<16xf32> to vector<16xf32>
      %add3A_707 = arith.constant 128 : i32
      %add3A_708 = arith.addi %mul3A_642, %add3A_707 : i32
      %get3A_709 = arith.constant 0 : i32
      %get3A_710 = tpu.memref_slice %arg5[%scan3A_356, %get3A_709] : memref<2x32768xf32, #tpu.memory_space<vmem>> -> memref<1x32768xf32, #tpu.memory_space<vmem>>
      %get3A_711 = tpu.memref_squeeze %get3A_710 : memref<1x32768xf32, #tpu.memory_space<vmem>> -> memref<32768xf32, #tpu.memory_space<vmem>>
      %get3A_712 = arith.index_cast %add3A_708 : i32 to index
      %get3A_713 = tpu.vector_load %get3A_711[%get3A_712] {strides = array<i32>} : memref<32768xf32, #tpu.memory_space<vmem>>, vector<16xf32>,
      %get3A_714 = vector.shape_cast %get3A_713 : vector<16xf32> to vector<16xf32>
      %add3A_715 = arith.constant 144 : i32
      %add3A_716 = arith.addi %mul3A_642, %add3A_715 : i32
      %get3A_717 = arith.constant 0 : i32
      %get3A_718 = tpu.memref_slice %arg5[%scan3A_356, %get3A_717] : memref<2x32768xf32, #tpu.memory_space<vmem>> -> memref<1x32768xf32, #tpu.memory_space<vmem>>
      %get3A_719 = tpu.memref_squeeze %get3A_718 : memref<1x32768xf32, #tpu.memory_space<vmem>> -> memref<32768xf32, #tpu.memory_space<vmem>>
      %get3A_720 = arith.index_cast %add3A_716 : i32 to index
      %get3A_721 = tpu.vector_load %get3A_719[%get3A_720] {strides = array<i32>} : memref<32768xf32, #tpu.memory_space<vmem>>, vector<16xf32>,
      %get3A_722 = vector.shape_cast %get3A_721 : vector<16xf32> to vector<16xf32>
      %add3A_723 = arith.constant 160 : i32
      %add3A_724 = arith.addi %mul3A_642, %add3A_723 : i32
      %get3A_725 = arith.constant 0 : i32
      %get3A_726 = tpu.memref_slice %arg5[%scan3A_356, %get3A_725] : memref<2x32768xf32, #tpu.memory_space<vmem>> -> memref<1x32768xf32, #tpu.memory_space<vmem>>
      %get3A_727 = tpu.memref_squeeze %get3A_726 : memref<1x32768xf32, #tpu.memory_space<vmem>> -> memref<32768xf32, #tpu.memory_space<vmem>>
      %get3A_728 = arith.index_cast %add3A_724 : i32 to index
      %get3A_729 = tpu.vector_load %get3A_727[%get3A_728] {strides = array<i32>} : memref<32768xf32, #tpu.memory_space<vmem>>, vector<16xf32>,
      %get3A_730 = vector.shape_cast %get3A_729 : vector<16xf32> to vector<16xf32>
      %add3A_731 = arith.constant 176 : i32
      %add3A_732 = arith.addi %mul3A_642, %add3A_731 : i32
      %get3A_733 = arith.constant 0 : i32
      %get3A_734 = tpu.memref_slice %arg5[%scan3A_356, %get3A_733] : memref<2x32768xf32, #tpu.memory_space<vmem>> -> memref<1x32768xf32, #tpu.memory_space<vmem>>
      %get3A_735 = tpu.memref_squeeze %get3A_734 : memref<1x32768xf32, #tpu.memory_space<vmem>> -> memref<32768xf32, #tpu.memory_space<vmem>>
      %get3A_736 = arith.index_cast %add3A_732 : i32 to index
      %get3A_737 = tpu.vector_load %get3A_735[%get3A_736] {strides = array<i32>} : memref<32768xf32, #tpu.memory_space<vmem>>, vector<16xf32>,
      %get3A_738 = vector.shape_cast %get3A_737 : vector<16xf32> to vector<16xf32>
      %add3A_739 = arith.constant 192 : i32
      %add3A_740 = arith.addi %mul3A_642, %add3A_739 : i32
      %get3A_741 = arith.constant 0 : i32
      %get3A_742 = tpu.memref_slice %arg5[%scan3A_356, %get3A_741] : memref<2x32768xf32, #tpu.memory_space<vmem>> -> memref<1x32768xf32, #tpu.memory_space<vmem>>
      %get3A_743 = tpu.memref_squeeze %get3A_742 : memref<1x32768xf32, #tpu.memory_space<vmem>> -> memref<32768xf32, #tpu.memory_space<vmem>>
      %get3A_744 = arith.index_cast %add3A_740 : i32 to index
      %get3A_745 = tpu.vector_load %get3A_743[%get3A_744] {strides = array<i32>} : memref<32768xf32, #tpu.memory_space<vmem>>, vector<16xf32>,
      %get3A_746 = vector.shape_cast %get3A_745 : vector<16xf32> to vector<16xf32>
      %add3A_747 = arith.constant 208 : i32
      %add3A_748 = arith.addi %mul3A_642, %add3A_747 : i32
      %get3A_749 = arith.constant 0 : i32
      %get3A_750 = tpu.memref_slice %arg5[%scan3A_356, %get3A_749] : memref<2x32768xf32, #tpu.memory_space<vmem>> -> memref<1x32768xf32, #tpu.memory_space<vmem>>
      %get3A_751 = tpu.memref_squeeze %get3A_750 : memref<1x32768xf32, #tpu.memory_space<vmem>> -> memref<32768xf32, #tpu.memory_space<vmem>>
      %get3A_752 = arith.index_cast %add3A_748 : i32 to index
      %get3A_753 = tpu.vector_load %get3A_751[%get3A_752] {strides = array<i32>} : memref<32768xf32, #tpu.memory_space<vmem>>, vector<16xf32>,
      %get3A_754 = vector.shape_cast %get3A_753 : vector<16xf32> to vector<16xf32>
      %add3A_755 = arith.constant 224 : i32
      %add3A_756 = arith.addi %mul3A_642, %add3A_755 : i32
      %get3A_757 = arith.constant 0 : i32
      %get3A_758 = tpu.memref_slice %arg5[%scan3A_356, %get3A_757] : memref<2x32768xf32, #tpu.memory_space<vmem>> -> memref<1x32768xf32, #tpu.memory_space<vmem>>
      %get3A_759 = tpu.memref_squeeze %get3A_758 : memref<1x32768xf32, #tpu.memory_space<vmem>> -> memref<32768xf32, #tpu.memory_space<vmem>>
      %get3A_760 = arith.index_cast %add3A_756 : i32 to index
      %get3A_761 = tpu.vector_load %get3A_759[%get3A_760] {strides = array<i32>} : memref<32768xf32, #tpu.memory_space<vmem>>, vector<16xf32>,
      %get3A_762 = vector.shape_cast %get3A_761 : vector<16xf32> to vector<16xf32>
      %add3A_763 = arith.constant 240 : i32
      %add3A_764 = arith.addi %mul3A_642, %add3A_763 : i32
      %get3A_765 = arith.constant 0 : i32
      %get3A_766 = tpu.memref_slice %arg5[%scan3A_356, %get3A_765] : memref<2x32768xf32, #tpu.memory_space<vmem>> -> memref<1x32768xf32, #tpu.memory_space<vmem>>
      %get3A_767 = tpu.memref_squeeze %get3A_766 : memref<1x32768xf32, #tpu.memory_space<vmem>> -> memref<32768xf32, #tpu.memory_space<vmem>>
      %get3A_768 = arith.index_cast %add3A_764 : i32 to index
      %get3A_769 = tpu.vector_load %get3A_767[%get3A_768] {strides = array<i32>} : memref<32768xf32, #tpu.memory_space<vmem>>, vector<16xf32>,
      %get3A_770 = vector.shape_cast %get3A_769 : vector<16xf32> to vector<16xf32>
      %max3A_771 = arith.maximumf %get3A_650, %get3A_658 : vector<16xf32>
      %max3A_772 = arith.maximumf %get3A_666, %get3A_674 : vector<16xf32>
      %max3A_773 = arith.maximumf %max3A_771, %max3A_772 : vector<16xf32>
      %max3A_774 = arith.maximumf %get3A_682, %get3A_690 : vector<16xf32>
      %max3A_775 = arith.maximumf %get3A_698, %get3A_706 : vector<16xf32>
      %max3A_776 = arith.maximumf %max3A_774, %max3A_775 : vector<16xf32>
      %max3A_777 = arith.maximumf %get3A_714, %get3A_722 : vector<16xf32>
      %max3A_778 = arith.maximumf %get3A_730, %get3A_738 : vector<16xf32>
      %max3A_779 = arith.maximumf %max3A_777, %max3A_778 : vector<16xf32>
      %max3A_780 = arith.maximumf %get3A_746, %get3A_754 : vector<16xf32>
      %max3A_781 = arith.maximumf %get3A_762, %get3A_770 : vector<16xf32>
      %max3A_782 = arith.maximumf %max3A_780, %max3A_781 : vector<16xf32>
      %min3A_783 = arith.minimumf %get3A_650, %get3A_658 : vector<16xf32>
      %min3A_784 = arith.minimumf %get3A_666, %get3A_674 : vector<16xf32>
      %min3A_785 = arith.minimumf %min3A_783, %min3A_784 : vector<16xf32>
      %min3A_786 = arith.minimumf %get3A_682, %get3A_690 : vector<16xf32>
      %min3A_787 = arith.minimumf %get3A_698, %get3A_706 : vector<16xf32>
      %min3A_788 = arith.minimumf %min3A_786, %min3A_787 : vector<16xf32>
      %min3A_789 = arith.minimumf %get3A_714, %get3A_722 : vector<16xf32>
      %min3A_790 = arith.minimumf %get3A_730, %get3A_738 : vector<16xf32>
      %min3A_791 = arith.minimumf %min3A_789, %min3A_790 : vector<16xf32>
      %min3A_792 = arith.minimumf %get3A_746, %get3A_754 : vector<16xf32>
      %min3A_793 = arith.minimumf %get3A_762, %get3A_770 : vector<16xf32>
      %min3A_794 = arith.minimumf %min3A_792, %min3A_793 : vector<16xf32>
      %max3A_795 = arith.maximumf %scan3A_633, %max3A_773 : vector<16xf32>
      %max3A_796 = arith.maximumf %scan3A_634, %max3A_776 : vector<16xf32>
      %max3A_797 = arith.maximumf %scan3A_635, %max3A_779 : vector<16xf32>
      %max3A_798 = arith.maximumf %scan3A_636, %max3A_782 : vector<16xf32>
      %min3A_799 = arith.minimumf %scan3A_637, %min3A_785 : vector<16xf32>
      %min3A_800 = arith.minimumf %scan3A_638, %min3A_788 : vector<16xf32>
      %min3A_801 = arith.minimumf %scan3A_639, %min3A_791 : vector<16xf32>
      %min3A_802 = arith.minimumf %scan3A_640, %min3A_794 : vector<16xf32>
      scf.yield %max3A_795, %max3A_796, %max3A_797, %max3A_798, %min3A_799, %min3A_800, %min3A_801, %min3A_802 : vector<16xf32>, vector<16xf32>, vector<16xf32>, vector<16xf32>, vector<16xf32>, vector<16xf32>, vector<16xf32>, vector<16xf32>
    }
    %scan3A_362 = arith.constant 128 : i32
    %max3A_363 = arith.maximumf %scan3A_361#0, %scan3A_361#1 : vector<16xf32>
    %max3A_364 = arith.maximumf %scan3A_361#2, %scan3A_361#3 : vector<16xf32>
    %max3A_365 = arith.maximumf %max3A_363, %max3A_364 : vector<16xf32>
    %min3A_366 = arith.minimumf %scan3A_361#4, %scan3A_361#5 : vector<16xf32>
    %min3A_367 = arith.minimumf %scan3A_361#6, %scan3A_361#7 : vector<16xf32>
    %min3A_368 = arith.minimumf %min3A_366, %min3A_367 : vector<16xf32>
    %xor3A_369 = arith.constant 8 : i32
    %xor3A_370 = vector.broadcast %xor3A_369 : i32 to vector<16xi32>
    %xor3A_371 = arith.xori %iota3A, %xor3A_370 : vector<16xi32>
    %lt3A_372 = arith.constant 0 : i32
    %lt3A_373 = vector.broadcast %lt3A_372 : i32 to vector<16xi32>
    %lt3A_374 = arith.cmpi slt, %xor3A_371, %lt3A_373 : vector<16xi32>
    %add3A_375 = arith.constant 16 : i32
    %add3A_376 = vector.broadcast %add3A_375 : i32 to vector<16xi32>
    %add3A_377 = arith.addi %xor3A_371, %add3A_376 : vector<16xi32>
    %select_n3A_378 = arith.select %lt3A_374, %add3A_377, %xor3A_371 : vector<16xi1>, vector<16xi32>
    %broadcast_in_dim3A_379 = vector.shape_cast %select_n3A_378 : vector<16xi32> to vector<16x1xi32>
    %gather3A_380 = vector.shape_cast %broadcast_in_dim3A_379 : vector<16x1xi32> to vector<16xi32>
    %gather3A_381 = tpu.dynamic_gather %max3A_365[%gather3A_380] in [0] : vector<16xf32>, vector<16xi32> -> vector<16xf32>
    %max3A_382 = arith.maximumf %max3A_365, %gather3A_381 : vector<16xf32>
    %lt3A_383 = arith.constant 0 : i32
    %lt3A_384 = vector.broadcast %lt3A_383 : i32 to vector<16xi32>
    %lt3A_385 = arith.cmpi slt, %xor3A_371, %lt3A_384 : vector<16xi32>
    %add3A_386 = arith.constant 16 : i32
    %add3A_387 = vector.broadcast %add3A_386 : i32 to vector<16xi32>
    %add3A_388 = arith.addi %xor3A_371, %add3A_387 : vector<16xi32>
    %select_n3A_389 = arith.select %lt3A_385, %add3A_388, %xor3A_371 : vector<16xi1>, vector<16xi32>
    %broadcast_in_dim3A_390 = vector.shape_cast %select_n3A_389 : vector<16xi32> to vector<16x1xi32>
    %gather3A_391 = vector.shape_cast %broadcast_in_dim3A_390 : vector<16x1xi32> to vector<16xi32>
    %gather3A_392 = tpu.dynamic_gather %min3A_368[%gather3A_391] in [0] : vector<16xf32>, vector<16xi32> -> vector<16xf32>
    %min3A_393 = arith.minimumf %min3A_368, %gather3A_392 : vector<16xf32>
    %xor3A_394 = arith.constant 4 : i32
    %xor3A_395 = vector.broadcast %xor3A_394 : i32 to vector<16xi32>
    %xor3A_396 = arith.xori %iota3A, %xor3A_395 : vector<16xi32>
    %lt3A_397 = arith.constant 0 : i32
    %lt3A_398 = vector.broadcast %lt3A_397 : i32 to vector<16xi32>
    %lt3A_399 = arith.cmpi slt, %xor3A_396, %lt3A_398 : vector<16xi32>
    %add3A_400 = arith.constant 16 : i32
    %add3A_401 = vector.broadcast %add3A_400 : i32 to vector<16xi32>
    %add3A_402 = arith.addi %xor3A_396, %add3A_401 : vector<16xi32>
    %select_n3A_403 = arith.select %lt3A_399, %add3A_402, %xor3A_396 : vector<16xi1>, vector<16xi32>
    %broadcast_in_dim3A_404 = vector.shape_cast %select_n3A_403 : vector<16xi32> to vector<16x1xi32>
    %gather3A_405 = vector.shape_cast %broadcast_in_dim3A_404 : vector<16x1xi32> to vector<16xi32>
    %gather3A_406 = tpu.dynamic_gather %max3A_382[%gather3A_405] in [0] : vector<16xf32>, vector<16xi32> -> vector<16xf32>
    %max3A_407 = arith.maximumf %max3A_382, %gather3A_406 : vector<16xf32>
    %lt3A_408 = arith.constant 0 : i32
    %lt3A_409 = vector.broadcast %lt3A_408 : i32 to vector<16xi32>
    %lt3A_410 = arith.cmpi slt, %xor3A_396, %lt3A_409 : vector<16xi32>
    %add3A_411 = arith.constant 16 : i32
    %add3A_412 = vector.broadcast %add3A_411 : i32 to vector<16xi32>
    %add3A_413 = arith.addi %xor3A_396, %add3A_412 : vector<16xi32>
    %select_n3A_414 = arith.select %lt3A_410, %add3A_413, %xor3A_396 : vector<16xi1>, vector<16xi32>
    %broadcast_in_dim3A_415 = vector.shape_cast %select_n3A_414 : vector<16xi32> to vector<16x1xi32>
    %gather3A_416 = vector.shape_cast %broadcast_in_dim3A_415 : vector<16x1xi32> to vector<16xi32>
    %gather3A_417 = tpu.dynamic_gather %min3A_393[%gather3A_416] in [0] : vector<16xf32>, vector<16xi32> -> vector<16xf32>
    %min3A_418 = arith.minimumf %min3A_393, %gather3A_417 : vector<16xf32>
    %xor3A_419 = arith.constant 2 : i32
    %xor3A_420 = vector.broadcast %xor3A_419 : i32 to vector<16xi32>
    %xor3A_421 = arith.xori %iota3A, %xor3A_420 : vector<16xi32>
    %lt3A_422 = arith.constant 0 : i32
    %lt3A_423 = vector.broadcast %lt3A_422 : i32 to vector<16xi32>
    %lt3A_424 = arith.cmpi slt, %xor3A_421, %lt3A_423 : vector<16xi32>
    %add3A_425 = arith.constant 16 : i32
    %add3A_426 = vector.broadcast %add3A_425 : i32 to vector<16xi32>
    %add3A_427 = arith.addi %xor3A_421, %add3A_426 : vector<16xi32>
    %select_n3A_428 = arith.select %lt3A_424, %add3A_427, %xor3A_421 : vector<16xi1>, vector<16xi32>
    %broadcast_in_dim3A_429 = vector.shape_cast %select_n3A_428 : vector<16xi32> to vector<16x1xi32>
    %gather3A_430 = vector.shape_cast %broadcast_in_dim3A_429 : vector<16x1xi32> to vector<16xi32>
    %gather3A_431 = tpu.dynamic_gather %max3A_407[%gather3A_430] in [0] : vector<16xf32>, vector<16xi32> -> vector<16xf32>
    %max3A_432 = arith.maximumf %max3A_407, %gather3A_431 : vector<16xf32>
    %lt3A_433 = arith.constant 0 : i32
    %lt3A_434 = vector.broadcast %lt3A_433 : i32 to vector<16xi32>
    %lt3A_435 = arith.cmpi slt, %xor3A_421, %lt3A_434 : vector<16xi32>
    %add3A_436 = arith.constant 16 : i32
    %add3A_437 = vector.broadcast %add3A_436 : i32 to vector<16xi32>
    %add3A_438 = arith.addi %xor3A_421, %add3A_437 : vector<16xi32>
    %select_n3A_439 = arith.select %lt3A_435, %add3A_438, %xor3A_421 : vector<16xi1>, vector<16xi32>
    %broadcast_in_dim3A_440 = vector.shape_cast %select_n3A_439 : vector<16xi32> to vector<16x1xi32>
    %gather3A_441 = vector.shape_cast %broadcast_in_dim3A_440 : vector<16x1xi32> to vector<16xi32>
    %gather3A_442 = tpu.dynamic_gather %min3A_418[%gather3A_441] in [0] : vector<16xf32>, vector<16xi32> -> vector<16xf32>
    %min3A_443 = arith.minimumf %min3A_418, %gather3A_442 : vector<16xf32>
    %xor3A_444 = arith.constant 1 : i32
    %xor3A_445 = vector.broadcast %xor3A_444 : i32 to vector<16xi32>
    %xor3A_446 = arith.xori %iota3A, %xor3A_445 : vector<16xi32>
    %lt3A_447 = arith.constant 0 : i32
    %lt3A_448 = vector.broadcast %lt3A_447 : i32 to vector<16xi32>
    %lt3A_449 = arith.cmpi slt, %xor3A_446, %lt3A_448 : vector<16xi32>
    %add3A_450 = arith.constant 16 : i32
    %add3A_451 = vector.broadcast %add3A_450 : i32 to vector<16xi32>
    %add3A_452 = arith.addi %xor3A_446, %add3A_451 : vector<16xi32>
    %select_n3A_453 = arith.select %lt3A_449, %add3A_452, %xor3A_446 : vector<16xi1>, vector<16xi32>
    %broadcast_in_dim3A_454 = vector.shape_cast %select_n3A_453 : vector<16xi32> to vector<16x1xi32>
    %gather3A_455 = vector.shape_cast %broadcast_in_dim3A_454 : vector<16x1xi32> to vector<16xi32>
    %gather3A_456 = tpu.dynamic_gather %max3A_432[%gather3A_455] in [0] : vector<16xf32>, vector<16xi32> -> vector<16xf32>
    %max3A_457 = arith.maximumf %max3A_432, %gather3A_456 : vector<16xf32>
    %lt3A_458 = arith.constant 0 : i32
    %lt3A_459 = vector.broadcast %lt3A_458 : i32 to vector<16xi32>
    %lt3A_460 = arith.cmpi slt, %xor3A_446, %lt3A_459 : vector<16xi32>
    %add3A_461 = arith.constant 16 : i32
    %add3A_462 = vector.broadcast %add3A_461 : i32 to vector<16xi32>
    %add3A_463 = arith.addi %xor3A_446, %add3A_462 : vector<16xi32>
    %select_n3A_464 = arith.select %lt3A_460, %add3A_463, %xor3A_446 : vector<16xi1>, vector<16xi32>
    %broadcast_in_dim3A_465 = vector.shape_cast %select_n3A_464 : vector<16xi32> to vector<16x1xi32>
    %gather3A_466 = vector.shape_cast %broadcast_in_dim3A_465 : vector<16x1xi32> to vector<16xi32>
    %gather3A_467 = tpu.dynamic_gather %min3A_443[%gather3A_466] in [0] : vector<16xf32>, vector<16xi32> -> vector<16xf32>
    %min3A_468 = arith.minimumf %min3A_443, %gather3A_467 : vector<16xf32>
    %neg3A_469 = arith.constant 0.000000e+00 : f32
    %neg3A_470 = vector.broadcast %neg3A_469 : f32 to vector<16xf32>
    %neg3A_471 = arith.subf %neg3A_470, %min3A_468 : vector<16xf32>
    %ge3A_472 = arith.cmpf oge, %max3A_457, %neg3A_471 : vector<16xf32>
    %select_n3A_473 = arith.select %ge3A_472, %max3A_457, %min3A_468 : vector<16xi1>, vector<16xf32>
    %eq3A_474 = arith.constant 2 : i32
    %eq3A_475 = vector.broadcast %eq3A_474 : i32 to vector<16xi32>
    %eq3A_476 = arith.cmpi eq, %iota3A, %eq3A_475 : vector<16xi32>
    %select_n3A_477 = arith.select %eq3A_476, %select_n3A_473, %select_n3A_321 : vector<16xi1>, vector<16xf32>
    %dma_wait3A_478 = arith.constant 1 : i32
    %dma_wait3A_479 = arith.constant 0 : i32
    %dma_wait3A_480 = tpu.memref_slice %arg5[%dma_wait3A_478, %dma_wait3A_479] : memref<2x32768xf32, #tpu.memory_space<vmem>> -> memref<1x32768xf32, #tpu.memory_space<vmem>>
    %dma_wait3A_481 = tpu.memref_squeeze %dma_wait3A_480 : memref<1x32768xf32, #tpu.memory_space<vmem>> -> memref<32768xf32, #tpu.memory_space<vmem>>
    %dma_wait3A_482 = arith.constant 0 : i32
    %dma_wait3A_483 = tpu.memref_slice %arg3[%add3A_325, %dma_wait3A_482] : memref<128x32768xf32, #tpu.memory_space<hbm>> -> memref<1x32768xf32, #tpu.memory_space<hbm>>
    %dma_wait3A_484 = tpu.memref_squeeze %dma_wait3A_483 : memref<1x32768xf32, #tpu.memory_space<hbm>> -> memref<32768xf32, #tpu.memory_space<hbm>>
    %dma_wait3A_485 = arith.constant 0 : i32
    %dma_wait3A_486 = tpu.memref_slice %arg5[%dma_wait3A_478, %dma_wait3A_485] : memref<2x32768xf32, #tpu.memory_space<vmem>> -> memref<1x32768xf32, #tpu.memory_space<vmem>>
    %dma_wait3A_487 = tpu.memref_squeeze %dma_wait3A_486 : memref<1x32768xf32, #tpu.memory_space<vmem>> -> memref<32768xf32, #tpu.memory_space<vmem>>
    %dma_wait3A_488 = arith.constant 0 : i32
    %dma_wait3A_489 = tpu.memref_slice %arg3[%add3A_325, %dma_wait3A_488] : memref<128x32768xf32, #tpu.memory_space<hbm>> -> memref<1x32768xf32, #tpu.memory_space<hbm>>
    %dma_wait3A_490 = tpu.memref_squeeze %dma_wait3A_489 : memref<1x32768xf32, #tpu.memory_space<hbm>> -> memref<32768xf32, #tpu.memory_space<hbm>>
    tpu.wait_dma2 semaphore(%arg9 : memref<!tpu.dma_semaphore, #tpu.memory_space<semaphore_mem>>) src(%dma_wait3A_490 : memref<32768xf32, #tpu.memory_space<hbm>>) dst(%dma_wait3A_487 : memref<32768xf32, #tpu.memory_space<vmem>>)
    %broadcast_in_dim3A_491 = arith.constant -3.40282347E+38 : f32
    %broadcast_in_dim3A_492 = vector.broadcast %broadcast_in_dim3A_491 : f32 to vector<16xf32>
    %broadcast_in_dim3A_493 = arith.constant 3.40282347E+38 : f32
    %broadcast_in_dim3A_494 = vector.broadcast %broadcast_in_dim3A_493 : f32 to vector<16xf32>
    %scan3A_495 = arith.constant 1 : i32
    %scan3A_496 = arith.constant 0 : i32
    %scan3A_497 = arith.constant 128 : i32
    %scan3A_498 = arith.addi %scan3A_496, %scan3A_497 : i32
    %scan3A_499 = arith.constant 1 : i32
    %scan3A_500:8 = scf.for %scan3A_632 = %scan3A_496 to %scan3A_498 step %scan3A_499 iter_args(%scan3A_633 = %broadcast_in_dim3A_492, %scan3A_634 = %broadcast_in_dim3A_492, %scan3A_635 = %broadcast_in_dim3A_492, %scan3A_636 = %broadcast_in_dim3A_492, %scan3A_637 = %broadcast_in_dim3A_494, %scan3A_638 = %broadcast_in_dim3A_494, %scan3A_639 = %broadcast_in_dim3A_494, %scan3A_640 = %broadcast_in_dim3A_494) -> (vector<16xf32>, vector<16xf32>, vector<16xf32>, vector<16xf32>, vector<16xf32>, vector<16xf32>, vector<16xf32>, vector<16xf32>)  : i32 {
      %mul3A_641 = arith.constant 256 : i32
      %mul3A_642 = arith.muli %scan3A_632, %mul3A_641 : i32
      %add3A_643 = arith.constant 0 : i32
      %add3A_644 = arith.addi %mul3A_642, %add3A_643 : i32
      %get3A_645 = arith.constant 0 : i32
      %get3A_646 = tpu.memref_slice %arg5[%scan3A_495, %get3A_645] : memref<2x32768xf32, #tpu.memory_space<vmem>> -> memref<1x32768xf32, #tpu.memory_space<vmem>>
      %get3A_647 = tpu.memref_squeeze %get3A_646 : memref<1x32768xf32, #tpu.memory_space<vmem>> -> memref<32768xf32, #tpu.memory_space<vmem>>
      %get3A_648 = arith.index_cast %add3A_644 : i32 to index
      %get3A_649 = tpu.vector_load %get3A_647[%get3A_648] {strides = array<i32>} : memref<32768xf32, #tpu.memory_space<vmem>>, vector<16xf32>,
      %get3A_650 = vector.shape_cast %get3A_649 : vector<16xf32> to vector<16xf32>
      %add3A_651 = arith.constant 16 : i32
      %add3A_652 = arith.addi %mul3A_642, %add3A_651 : i32
      %get3A_653 = arith.constant 0 : i32
      %get3A_654 = tpu.memref_slice %arg5[%scan3A_495, %get3A_653] : memref<2x32768xf32, #tpu.memory_space<vmem>> -> memref<1x32768xf32, #tpu.memory_space<vmem>>
      %get3A_655 = tpu.memref_squeeze %get3A_654 : memref<1x32768xf32, #tpu.memory_space<vmem>> -> memref<32768xf32, #tpu.memory_space<vmem>>
      %get3A_656 = arith.index_cast %add3A_652 : i32 to index
      %get3A_657 = tpu.vector_load %get3A_655[%get3A_656] {strides = array<i32>} : memref<32768xf32, #tpu.memory_space<vmem>>, vector<16xf32>,
      %get3A_658 = vector.shape_cast %get3A_657 : vector<16xf32> to vector<16xf32>
      %add3A_659 = arith.constant 32 : i32
      %add3A_660 = arith.addi %mul3A_642, %add3A_659 : i32
      %get3A_661 = arith.constant 0 : i32
      %get3A_662 = tpu.memref_slice %arg5[%scan3A_495, %get3A_661] : memref<2x32768xf32, #tpu.memory_space<vmem>> -> memref<1x32768xf32, #tpu.memory_space<vmem>>
      %get3A_663 = tpu.memref_squeeze %get3A_662 : memref<1x32768xf32, #tpu.memory_space<vmem>> -> memref<32768xf32, #tpu.memory_space<vmem>>
      %get3A_664 = arith.index_cast %add3A_660 : i32 to index
      %get3A_665 = tpu.vector_load %get3A_663[%get3A_664] {strides = array<i32>} : memref<32768xf32, #tpu.memory_space<vmem>>, vector<16xf32>,
      %get3A_666 = vector.shape_cast %get3A_665 : vector<16xf32> to vector<16xf32>
      %add3A_667 = arith.constant 48 : i32
      %add3A_668 = arith.addi %mul3A_642, %add3A_667 : i32
      %get3A_669 = arith.constant 0 : i32
      %get3A_670 = tpu.memref_slice %arg5[%scan3A_495, %get3A_669] : memref<2x32768xf32, #tpu.memory_space<vmem>> -> memref<1x32768xf32, #tpu.memory_space<vmem>>
      %get3A_671 = tpu.memref_squeeze %get3A_670 : memref<1x32768xf32, #tpu.memory_space<vmem>> -> memref<32768xf32, #tpu.memory_space<vmem>>
      %get3A_672 = arith.index_cast %add3A_668 : i32 to index
      %get3A_673 = tpu.vector_load %get3A_671[%get3A_672] {strides = array<i32>} : memref<32768xf32, #tpu.memory_space<vmem>>, vector<16xf32>,
      %get3A_674 = vector.shape_cast %get3A_673 : vector<16xf32> to vector<16xf32>
      %add3A_675 = arith.constant 64 : i32
      %add3A_676 = arith.addi %mul3A_642, %add3A_675 : i32
      %get3A_677 = arith.constant 0 : i32
      %get3A_678 = tpu.memref_slice %arg5[%scan3A_495, %get3A_677] : memref<2x32768xf32, #tpu.memory_space<vmem>> -> memref<1x32768xf32, #tpu.memory_space<vmem>>
      %get3A_679 = tpu.memref_squeeze %get3A_678 : memref<1x32768xf32, #tpu.memory_space<vmem>> -> memref<32768xf32, #tpu.memory_space<vmem>>
      %get3A_680 = arith.index_cast %add3A_676 : i32 to index
      %get3A_681 = tpu.vector_load %get3A_679[%get3A_680] {strides = array<i32>} : memref<32768xf32, #tpu.memory_space<vmem>>, vector<16xf32>,
      %get3A_682 = vector.shape_cast %get3A_681 : vector<16xf32> to vector<16xf32>
      %add3A_683 = arith.constant 80 : i32
      %add3A_684 = arith.addi %mul3A_642, %add3A_683 : i32
      %get3A_685 = arith.constant 0 : i32
      %get3A_686 = tpu.memref_slice %arg5[%scan3A_495, %get3A_685] : memref<2x32768xf32, #tpu.memory_space<vmem>> -> memref<1x32768xf32, #tpu.memory_space<vmem>>
      %get3A_687 = tpu.memref_squeeze %get3A_686 : memref<1x32768xf32, #tpu.memory_space<vmem>> -> memref<32768xf32, #tpu.memory_space<vmem>>
      %get3A_688 = arith.index_cast %add3A_684 : i32 to index
      %get3A_689 = tpu.vector_load %get3A_687[%get3A_688] {strides = array<i32>} : memref<32768xf32, #tpu.memory_space<vmem>>, vector<16xf32>,
      %get3A_690 = vector.shape_cast %get3A_689 : vector<16xf32> to vector<16xf32>
      %add3A_691 = arith.constant 96 : i32
      %add3A_692 = arith.addi %mul3A_642, %add3A_691 : i32
      %get3A_693 = arith.constant 0 : i32
      %get3A_694 = tpu.memref_slice %arg5[%scan3A_495, %get3A_693] : memref<2x32768xf32, #tpu.memory_space<vmem>> -> memref<1x32768xf32, #tpu.memory_space<vmem>>
      %get3A_695 = tpu.memref_squeeze %get3A_694 : memref<1x32768xf32, #tpu.memory_space<vmem>> -> memref<32768xf32, #tpu.memory_space<vmem>>
      %get3A_696 = arith.index_cast %add3A_692 : i32 to index
      %get3A_697 = tpu.vector_load %get3A_695[%get3A_696] {strides = array<i32>} : memref<32768xf32, #tpu.memory_space<vmem>>, vector<16xf32>,
      %get3A_698 = vector.shape_cast %get3A_697 : vector<16xf32> to vector<16xf32>
      %add3A_699 = arith.constant 112 : i32
      %add3A_700 = arith.addi %mul3A_642, %add3A_699 : i32
      %get3A_701 = arith.constant 0 : i32
      %get3A_702 = tpu.memref_slice %arg5[%scan3A_495, %get3A_701] : memref<2x32768xf32, #tpu.memory_space<vmem>> -> memref<1x32768xf32, #tpu.memory_space<vmem>>
      %get3A_703 = tpu.memref_squeeze %get3A_702 : memref<1x32768xf32, #tpu.memory_space<vmem>> -> memref<32768xf32, #tpu.memory_space<vmem>>
      %get3A_704 = arith.index_cast %add3A_700 : i32 to index
      %get3A_705 = tpu.vector_load %get3A_703[%get3A_704] {strides = array<i32>} : memref<32768xf32, #tpu.memory_space<vmem>>, vector<16xf32>,
      %get3A_706 = vector.shape_cast %get3A_705 : vector<16xf32> to vector<16xf32>
      %add3A_707 = arith.constant 128 : i32
      %add3A_708 = arith.addi %mul3A_642, %add3A_707 : i32
      %get3A_709 = arith.constant 0 : i32
      %get3A_710 = tpu.memref_slice %arg5[%scan3A_495, %get3A_709] : memref<2x32768xf32, #tpu.memory_space<vmem>> -> memref<1x32768xf32, #tpu.memory_space<vmem>>
      %get3A_711 = tpu.memref_squeeze %get3A_710 : memref<1x32768xf32, #tpu.memory_space<vmem>> -> memref<32768xf32, #tpu.memory_space<vmem>>
      %get3A_712 = arith.index_cast %add3A_708 : i32 to index
      %get3A_713 = tpu.vector_load %get3A_711[%get3A_712] {strides = array<i32>} : memref<32768xf32, #tpu.memory_space<vmem>>, vector<16xf32>,
      %get3A_714 = vector.shape_cast %get3A_713 : vector<16xf32> to vector<16xf32>
      %add3A_715 = arith.constant 144 : i32
      %add3A_716 = arith.addi %mul3A_642, %add3A_715 : i32
      %get3A_717 = arith.constant 0 : i32
      %get3A_718 = tpu.memref_slice %arg5[%scan3A_495, %get3A_717] : memref<2x32768xf32, #tpu.memory_space<vmem>> -> memref<1x32768xf32, #tpu.memory_space<vmem>>
      %get3A_719 = tpu.memref_squeeze %get3A_718 : memref<1x32768xf32, #tpu.memory_space<vmem>> -> memref<32768xf32, #tpu.memory_space<vmem>>
      %get3A_720 = arith.index_cast %add3A_716 : i32 to index
      %get3A_721 = tpu.vector_load %get3A_719[%get3A_720] {strides = array<i32>} : memref<32768xf32, #tpu.memory_space<vmem>>, vector<16xf32>,
      %get3A_722 = vector.shape_cast %get3A_721 : vector<16xf32> to vector<16xf32>
      %add3A_723 = arith.constant 160 : i32
      %add3A_724 = arith.addi %mul3A_642, %add3A_723 : i32
      %get3A_725 = arith.constant 0 : i32
      %get3A_726 = tpu.memref_slice %arg5[%scan3A_495, %get3A_725] : memref<2x32768xf32, #tpu.memory_space<vmem>> -> memref<1x32768xf32, #tpu.memory_space<vmem>>
      %get3A_727 = tpu.memref_squeeze %get3A_726 : memref<1x32768xf32, #tpu.memory_space<vmem>> -> memref<32768xf32, #tpu.memory_space<vmem>>
      %get3A_728 = arith.index_cast %add3A_724 : i32 to index
      %get3A_729 = tpu.vector_load %get3A_727[%get3A_728] {strides = array<i32>} : memref<32768xf32, #tpu.memory_space<vmem>>, vector<16xf32>,
      %get3A_730 = vector.shape_cast %get3A_729 : vector<16xf32> to vector<16xf32>
      %add3A_731 = arith.constant 176 : i32
      %add3A_732 = arith.addi %mul3A_642, %add3A_731 : i32
      %get3A_733 = arith.constant 0 : i32
      %get3A_734 = tpu.memref_slice %arg5[%scan3A_495, %get3A_733] : memref<2x32768xf32, #tpu.memory_space<vmem>> -> memref<1x32768xf32, #tpu.memory_space<vmem>>
      %get3A_735 = tpu.memref_squeeze %get3A_734 : memref<1x32768xf32, #tpu.memory_space<vmem>> -> memref<32768xf32, #tpu.memory_space<vmem>>
      %get3A_736 = arith.index_cast %add3A_732 : i32 to index
      %get3A_737 = tpu.vector_load %get3A_735[%get3A_736] {strides = array<i32>} : memref<32768xf32, #tpu.memory_space<vmem>>, vector<16xf32>,
      %get3A_738 = vector.shape_cast %get3A_737 : vector<16xf32> to vector<16xf32>
      %add3A_739 = arith.constant 192 : i32
      %add3A_740 = arith.addi %mul3A_642, %add3A_739 : i32
      %get3A_741 = arith.constant 0 : i32
      %get3A_742 = tpu.memref_slice %arg5[%scan3A_495, %get3A_741] : memref<2x32768xf32, #tpu.memory_space<vmem>> -> memref<1x32768xf32, #tpu.memory_space<vmem>>
      %get3A_743 = tpu.memref_squeeze %get3A_742 : memref<1x32768xf32, #tpu.memory_space<vmem>> -> memref<32768xf32, #tpu.memory_space<vmem>>
      %get3A_744 = arith.index_cast %add3A_740 : i32 to index
      %get3A_745 = tpu.vector_load %get3A_743[%get3A_744] {strides = array<i32>} : memref<32768xf32, #tpu.memory_space<vmem>>, vector<16xf32>,
      %get3A_746 = vector.shape_cast %get3A_745 : vector<16xf32> to vector<16xf32>
      %add3A_747 = arith.constant 208 : i32
      %add3A_748 = arith.addi %mul3A_642, %add3A_747 : i32
      %get3A_749 = arith.constant 0 : i32
      %get3A_750 = tpu.memref_slice %arg5[%scan3A_495, %get3A_749] : memref<2x32768xf32, #tpu.memory_space<vmem>> -> memref<1x32768xf32, #tpu.memory_space<vmem>>
      %get3A_751 = tpu.memref_squeeze %get3A_750 : memref<1x32768xf32, #tpu.memory_space<vmem>> -> memref<32768xf32, #tpu.memory_space<vmem>>
      %get3A_752 = arith.index_cast %add3A_748 : i32 to index
      %get3A_753 = tpu.vector_load %get3A_751[%get3A_752] {strides = array<i32>} : memref<32768xf32, #tpu.memory_space<vmem>>, vector<16xf32>,
      %get3A_754 = vector.shape_cast %get3A_753 : vector<16xf32> to vector<16xf32>
      %add3A_755 = arith.constant 224 : i32
      %add3A_756 = arith.addi %mul3A_642, %add3A_755 : i32
      %get3A_757 = arith.constant 0 : i32
      %get3A_758 = tpu.memref_slice %arg5[%scan3A_495, %get3A_757] : memref<2x32768xf32, #tpu.memory_space<vmem>> -> memref<1x32768xf32, #tpu.memory_space<vmem>>
      %get3A_759 = tpu.memref_squeeze %get3A_758 : memref<1x32768xf32, #tpu.memory_space<vmem>> -> memref<32768xf32, #tpu.memory_space<vmem>>
      %get3A_760 = arith.index_cast %add3A_756 : i32 to index
      %get3A_761 = tpu.vector_load %get3A_759[%get3A_760] {strides = array<i32>} : memref<32768xf32, #tpu.memory_space<vmem>>, vector<16xf32>,
      %get3A_762 = vector.shape_cast %get3A_761 : vector<16xf32> to vector<16xf32>
      %add3A_763 = arith.constant 240 : i32
      %add3A_764 = arith.addi %mul3A_642, %add3A_763 : i32
      %get3A_765 = arith.constant 0 : i32
      %get3A_766 = tpu.memref_slice %arg5[%scan3A_495, %get3A_765] : memref<2x32768xf32, #tpu.memory_space<vmem>> -> memref<1x32768xf32, #tpu.memory_space<vmem>>
      %get3A_767 = tpu.memref_squeeze %get3A_766 : memref<1x32768xf32, #tpu.memory_space<vmem>> -> memref<32768xf32, #tpu.memory_space<vmem>>
      %get3A_768 = arith.index_cast %add3A_764 : i32 to index
      %get3A_769 = tpu.vector_load %get3A_767[%get3A_768] {strides = array<i32>} : memref<32768xf32, #tpu.memory_space<vmem>>, vector<16xf32>,
      %get3A_770 = vector.shape_cast %get3A_769 : vector<16xf32> to vector<16xf32>
      %max3A_771 = arith.maximumf %get3A_650, %get3A_658 : vector<16xf32>
      %max3A_772 = arith.maximumf %get3A_666, %get3A_674 : vector<16xf32>
      %max3A_773 = arith.maximumf %max3A_771, %max3A_772 : vector<16xf32>
      %max3A_774 = arith.maximumf %get3A_682, %get3A_690 : vector<16xf32>
      %max3A_775 = arith.maximumf %get3A_698, %get3A_706 : vector<16xf32>
      %max3A_776 = arith.maximumf %max3A_774, %max3A_775 : vector<16xf32>
      %max3A_777 = arith.maximumf %get3A_714, %get3A_722 : vector<16xf32>
      %max3A_778 = arith.maximumf %get3A_730, %get3A_738 : vector<16xf32>
      %max3A_779 = arith.maximumf %max3A_777, %max3A_778 : vector<16xf32>
      %max3A_780 = arith.maximumf %get3A_746, %get3A_754 : vector<16xf32>
      %max3A_781 = arith.maximumf %get3A_762, %get3A_770 : vector<16xf32>
      %max3A_782 = arith.maximumf %max3A_780, %max3A_781 : vector<16xf32>
      %min3A_783 = arith.minimumf %get3A_650, %get3A_658 : vector<16xf32>
      %min3A_784 = arith.minimumf %get3A_666, %get3A_674 : vector<16xf32>
      %min3A_785 = arith.minimumf %min3A_783, %min3A_784 : vector<16xf32>
      %min3A_786 = arith.minimumf %get3A_682, %get3A_690 : vector<16xf32>
      %min3A_787 = arith.minimumf %get3A_698, %get3A_706 : vector<16xf32>
      %min3A_788 = arith.minimumf %min3A_786, %min3A_787 : vector<16xf32>
      %min3A_789 = arith.minimumf %get3A_714, %get3A_722 : vector<16xf32>
      %min3A_790 = arith.minimumf %get3A_730, %get3A_738 : vector<16xf32>
      %min3A_791 = arith.minimumf %min3A_789, %min3A_790 : vector<16xf32>
      %min3A_792 = arith.minimumf %get3A_746, %get3A_754 : vector<16xf32>
      %min3A_793 = arith.minimumf %get3A_762, %get3A_770 : vector<16xf32>
      %min3A_794 = arith.minimumf %min3A_792, %min3A_793 : vector<16xf32>
      %max3A_795 = arith.maximumf %scan3A_633, %max3A_773 : vector<16xf32>
      %max3A_796 = arith.maximumf %scan3A_634, %max3A_776 : vector<16xf32>
      %max3A_797 = arith.maximumf %scan3A_635, %max3A_779 : vector<16xf32>
      %max3A_798 = arith.maximumf %scan3A_636, %max3A_782 : vector<16xf32>
      %min3A_799 = arith.minimumf %scan3A_637, %min3A_785 : vector<16xf32>
      %min3A_800 = arith.minimumf %scan3A_638, %min3A_788 : vector<16xf32>
      %min3A_801 = arith.minimumf %scan3A_639, %min3A_791 : vector<16xf32>
      %min3A_802 = arith.minimumf %scan3A_640, %min3A_794 : vector<16xf32>
      scf.yield %max3A_795, %max3A_796, %max3A_797, %max3A_798, %min3A_799, %min3A_800, %min3A_801, %min3A_802 : vector<16xf32>, vector<16xf32>, vector<16xf32>, vector<16xf32>, vector<16xf32>, vector<16xf32>, vector<16xf32>, vector<16xf32>
    }
    %scan3A_501 = arith.constant 128 : i32
    %max3A_502 = arith.maximumf %scan3A_500#0, %scan3A_500#1 : vector<16xf32>
    %max3A_503 = arith.maximumf %scan3A_500#2, %scan3A_500#3 : vector<16xf32>
    %max3A_504 = arith.maximumf %max3A_502, %max3A_503 : vector<16xf32>
    %min3A_505 = arith.minimumf %scan3A_500#4, %scan3A_500#5 : vector<16xf32>
    %min3A_506 = arith.minimumf %scan3A_500#6, %scan3A_500#7 : vector<16xf32>
    %min3A_507 = arith.minimumf %min3A_505, %min3A_506 : vector<16xf32>
    %xor3A_508 = arith.constant 8 : i32
    %xor3A_509 = vector.broadcast %xor3A_508 : i32 to vector<16xi32>
    %xor3A_510 = arith.xori %iota3A, %xor3A_509 : vector<16xi32>
    %lt3A_511 = arith.constant 0 : i32
    %lt3A_512 = vector.broadcast %lt3A_511 : i32 to vector<16xi32>
    %lt3A_513 = arith.cmpi slt, %xor3A_510, %lt3A_512 : vector<16xi32>
    %add3A_514 = arith.constant 16 : i32
    %add3A_515 = vector.broadcast %add3A_514 : i32 to vector<16xi32>
    %add3A_516 = arith.addi %xor3A_510, %add3A_515 : vector<16xi32>
    %select_n3A_517 = arith.select %lt3A_513, %add3A_516, %xor3A_510 : vector<16xi1>, vector<16xi32>
    %broadcast_in_dim3A_518 = vector.shape_cast %select_n3A_517 : vector<16xi32> to vector<16x1xi32>
    %gather3A_519 = vector.shape_cast %broadcast_in_dim3A_518 : vector<16x1xi32> to vector<16xi32>
    %gather3A_520 = tpu.dynamic_gather %max3A_504[%gather3A_519] in [0] : vector<16xf32>, vector<16xi32> -> vector<16xf32>
    %max3A_521 = arith.maximumf %max3A_504, %gather3A_520 : vector<16xf32>
    %lt3A_522 = arith.constant 0 : i32
    %lt3A_523 = vector.broadcast %lt3A_522 : i32 to vector<16xi32>
    %lt3A_524 = arith.cmpi slt, %xor3A_510, %lt3A_523 : vector<16xi32>
    %add3A_525 = arith.constant 16 : i32
    %add3A_526 = vector.broadcast %add3A_525 : i32 to vector<16xi32>
    %add3A_527 = arith.addi %xor3A_510, %add3A_526 : vector<16xi32>
    %select_n3A_528 = arith.select %lt3A_524, %add3A_527, %xor3A_510 : vector<16xi1>, vector<16xi32>
    %broadcast_in_dim3A_529 = vector.shape_cast %select_n3A_528 : vector<16xi32> to vector<16x1xi32>
    %gather3A_530 = vector.shape_cast %broadcast_in_dim3A_529 : vector<16x1xi32> to vector<16xi32>
    %gather3A_531 = tpu.dynamic_gather %min3A_507[%gather3A_530] in [0] : vector<16xf32>, vector<16xi32> -> vector<16xf32>
    %min3A_532 = arith.minimumf %min3A_507, %gather3A_531 : vector<16xf32>
    %xor3A_533 = arith.constant 4 : i32
    %xor3A_534 = vector.broadcast %xor3A_533 : i32 to vector<16xi32>
    %xor3A_535 = arith.xori %iota3A, %xor3A_534 : vector<16xi32>
    %lt3A_536 = arith.constant 0 : i32
    %lt3A_537 = vector.broadcast %lt3A_536 : i32 to vector<16xi32>
    %lt3A_538 = arith.cmpi slt, %xor3A_535, %lt3A_537 : vector<16xi32>
    %add3A_539 = arith.constant 16 : i32
    %add3A_540 = vector.broadcast %add3A_539 : i32 to vector<16xi32>
    %add3A_541 = arith.addi %xor3A_535, %add3A_540 : vector<16xi32>
    %select_n3A_542 = arith.select %lt3A_538, %add3A_541, %xor3A_535 : vector<16xi1>, vector<16xi32>
    %broadcast_in_dim3A_543 = vector.shape_cast %select_n3A_542 : vector<16xi32> to vector<16x1xi32>
    %gather3A_544 = vector.shape_cast %broadcast_in_dim3A_543 : vector<16x1xi32> to vector<16xi32>
    %gather3A_545 = tpu.dynamic_gather %max3A_521[%gather3A_544] in [0] : vector<16xf32>, vector<16xi32> -> vector<16xf32>
    %max3A_546 = arith.maximumf %max3A_521, %gather3A_545 : vector<16xf32>
    %lt3A_547 = arith.constant 0 : i32
    %lt3A_548 = vector.broadcast %lt3A_547 : i32 to vector<16xi32>
    %lt3A_549 = arith.cmpi slt, %xor3A_535, %lt3A_548 : vector<16xi32>
    %add3A_550 = arith.constant 16 : i32
    %add3A_551 = vector.broadcast %add3A_550 : i32 to vector<16xi32>
    %add3A_552 = arith.addi %xor3A_535, %add3A_551 : vector<16xi32>
    %select_n3A_553 = arith.select %lt3A_549, %add3A_552, %xor3A_535 : vector<16xi1>, vector<16xi32>
    %broadcast_in_dim3A_554 = vector.shape_cast %select_n3A_553 : vector<16xi32> to vector<16x1xi32>
    %gather3A_555 = vector.shape_cast %broadcast_in_dim3A_554 : vector<16x1xi32> to vector<16xi32>
    %gather3A_556 = tpu.dynamic_gather %min3A_532[%gather3A_555] in [0] : vector<16xf32>, vector<16xi32> -> vector<16xf32>
    %min3A_557 = arith.minimumf %min3A_532, %gather3A_556 : vector<16xf32>
    %xor3A_558 = arith.constant 2 : i32
    %xor3A_559 = vector.broadcast %xor3A_558 : i32 to vector<16xi32>
    %xor3A_560 = arith.xori %iota3A, %xor3A_559 : vector<16xi32>
    %lt3A_561 = arith.constant 0 : i32
    %lt3A_562 = vector.broadcast %lt3A_561 : i32 to vector<16xi32>
    %lt3A_563 = arith.cmpi slt, %xor3A_560, %lt3A_562 : vector<16xi32>
    %add3A_564 = arith.constant 16 : i32
    %add3A_565 = vector.broadcast %add3A_564 : i32 to vector<16xi32>
    %add3A_566 = arith.addi %xor3A_560, %add3A_565 : vector<16xi32>
    %select_n3A_567 = arith.select %lt3A_563, %add3A_566, %xor3A_560 : vector<16xi1>, vector<16xi32>
    %broadcast_in_dim3A_568 = vector.shape_cast %select_n3A_567 : vector<16xi32> to vector<16x1xi32>
    %gather3A_569 = vector.shape_cast %broadcast_in_dim3A_568 : vector<16x1xi32> to vector<16xi32>
    %gather3A_570 = tpu.dynamic_gather %max3A_546[%gather3A_569] in [0] : vector<16xf32>, vector<16xi32> -> vector<16xf32>
    %max3A_571 = arith.maximumf %max3A_546, %gather3A_570 : vector<16xf32>
    %lt3A_572 = arith.constant 0 : i32
    %lt3A_573 = vector.broadcast %lt3A_572 : i32 to vector<16xi32>
    %lt3A_574 = arith.cmpi slt, %xor3A_560, %lt3A_573 : vector<16xi32>
    %add3A_575 = arith.constant 16 : i32
    %add3A_576 = vector.broadcast %add3A_575 : i32 to vector<16xi32>
    %add3A_577 = arith.addi %xor3A_560, %add3A_576 : vector<16xi32>
    %select_n3A_578 = arith.select %lt3A_574, %add3A_577, %xor3A_560 : vector<16xi1>, vector<16xi32>
    %broadcast_in_dim3A_579 = vector.shape_cast %select_n3A_578 : vector<16xi32> to vector<16x1xi32>
    %gather3A_580 = vector.shape_cast %broadcast_in_dim3A_579 : vector<16x1xi32> to vector<16xi32>
    %gather3A_581 = tpu.dynamic_gather %min3A_557[%gather3A_580] in [0] : vector<16xf32>, vector<16xi32> -> vector<16xf32>
    %min3A_582 = arith.minimumf %min3A_557, %gather3A_581 : vector<16xf32>
    %xor3A_583 = arith.constant 1 : i32
    %xor3A_584 = vector.broadcast %xor3A_583 : i32 to vector<16xi32>
    %xor3A_585 = arith.xori %iota3A, %xor3A_584 : vector<16xi32>
    %lt3A_586 = arith.constant 0 : i32
    %lt3A_587 = vector.broadcast %lt3A_586 : i32 to vector<16xi32>
    %lt3A_588 = arith.cmpi slt, %xor3A_585, %lt3A_587 : vector<16xi32>
    %add3A_589 = arith.constant 16 : i32
    %add3A_590 = vector.broadcast %add3A_589 : i32 to vector<16xi32>
    %add3A_591 = arith.addi %xor3A_585, %add3A_590 : vector<16xi32>
    %select_n3A_592 = arith.select %lt3A_588, %add3A_591, %xor3A_585 : vector<16xi1>, vector<16xi32>
    %broadcast_in_dim3A_593 = vector.shape_cast %select_n3A_592 : vector<16xi32> to vector<16x1xi32>
    %gather3A_594 = vector.shape_cast %broadcast_in_dim3A_593 : vector<16x1xi32> to vector<16xi32>
    %gather3A_595 = tpu.dynamic_gather %max3A_571[%gather3A_594] in [0] : vector<16xf32>, vector<16xi32> -> vector<16xf32>
    %max3A_596 = arith.maximumf %max3A_571, %gather3A_595 : vector<16xf32>
    %lt3A_597 = arith.constant 0 : i32
    %lt3A_598 = vector.broadcast %lt3A_597 : i32 to vector<16xi32>
    %lt3A_599 = arith.cmpi slt, %xor3A_585, %lt3A_598 : vector<16xi32>
    %add3A_600 = arith.constant 16 : i32
    %add3A_601 = vector.broadcast %add3A_600 : i32 to vector<16xi32>
    %add3A_602 = arith.addi %xor3A_585, %add3A_601 : vector<16xi32>
    %select_n3A_603 = arith.select %lt3A_599, %add3A_602, %xor3A_585 : vector<16xi1>, vector<16xi32>
    %broadcast_in_dim3A_604 = vector.shape_cast %select_n3A_603 : vector<16xi32> to vector<16x1xi32>
    %gather3A_605 = vector.shape_cast %broadcast_in_dim3A_604 : vector<16x1xi32> to vector<16xi32>
    %gather3A_606 = tpu.dynamic_gather %min3A_582[%gather3A_605] in [0] : vector<16xf32>, vector<16xi32> -> vector<16xf32>
    %min3A_607 = arith.minimumf %min3A_582, %gather3A_606 : vector<16xf32>
    %neg3A_608 = arith.constant 0.000000e+00 : f32
    %neg3A_609 = vector.broadcast %neg3A_608 : f32 to vector<16xf32>
    %neg3A_610 = arith.subf %neg3A_609, %min3A_607 : vector<16xf32>
    %ge3A_611 = arith.cmpf oge, %max3A_596, %neg3A_610 : vector<16xf32>
    %select_n3A_612 = arith.select %ge3A_611, %max3A_596, %min3A_607 : vector<16xi1>, vector<16xf32>
    %eq3A_613 = arith.constant 3 : i32
    %eq3A_614 = vector.broadcast %eq3A_613 : i32 to vector<16xi32>
    %eq3A_615 = arith.cmpi eq, %iota3A, %eq3A_614 : vector<16xi32>
    %select_n3A_616 = arith.select %eq3A_615, %select_n3A_612, %select_n3A_477 : vector<16xi1>, vector<16xf32>
    %get3A = arith.index_cast %mul3A_2 : i32 to index
    %get3A_617 = tpu.vector_load %arg6[%get3A] {strides = array<i32>} : memref<144xf32, #tpu.memory_space<vmem>>, vector<16xf32>,
    %get3A_618 = vector.shape_cast %get3A_617 : vector<16xf32> to vector<16xf32>
    %neg3A_619 = arith.constant 0.000000e+00 : f32
    %neg3A_620 = vector.broadcast %neg3A_619 : f32 to vector<16xf32>
    %neg3A_621 = arith.subf %neg3A_620, %select_n3A_616 : vector<16xf32>
    %exp3A = math.exp %neg3A_621 : vector<16xf32>
    %add3A_622 = arith.constant 1.000000e+00 : f32
    %add3A_623 = vector.broadcast %add3A_622 : f32 to vector<16xf32>
    %add3A_624 = arith.addf %add3A_623, %exp3A : vector<16xf32>
    %div3A = arith.constant 1.000000e+00 : f32
    %div3A_625 = vector.broadcast %div3A : f32 to vector<16xf32>
    %div3A_626 = arith.divf %div3A_625, %add3A_624 : vector<16xf32>
    %mul3A_627 = arith.mulf %get3A_618, %div3A_626 : vector<16xf32>
    %swap3A_628 = arith.constant 0 : index
    %swap3A_629 = tpu.vector_load %arg7[%swap3A_628] {strides = array<i32>} : memref<16xf32, #tpu.memory_space<vmem>>, vector<16xf32>,
    %swap3A_630 = vector.shape_cast %swap3A_629 : vector<16xf32> to vector<16xf32>
    %swap3A_631 = vector.shape_cast %mul3A_627 : vector<16xf32> to vector<16xf32>
    tpu.vector_store %arg7[%swap3A_628], %swap3A_631 {strides = array<i32>} : memref<16xf32, #tpu.memory_space<vmem>>, vector<16xf32>,
    "tpu.region"() ({
      %run_scoped3A = tpu.sem_alloc : memref<!tpu.dma_semaphore, #tpu.memory_space<semaphore_mem>>
      %dma_start3A_632 = arith.constant 0 : i32
      %dma_start3A_633 = tpu.memref_slice %arg4[%add3A, %dma_start3A_632] : memref<32x16xf32, #tpu.memory_space<hbm>> -> memref<1x16xf32, #tpu.memory_space<hbm>>
      %dma_start3A_634 = tpu.memref_squeeze %dma_start3A_633 : memref<1x16xf32, #tpu.memory_space<hbm>> -> memref<16xf32, #tpu.memory_space<hbm>>
      %dma_start3A_635 = arith.constant 0 : i32
      %dma_start3A_636 = tpu.memref_slice %arg4[%add3A, %dma_start3A_635] : memref<32x16xf32, #tpu.memory_space<hbm>> -> memref<1x16xf32, #tpu.memory_space<hbm>>
      %dma_start3A_637 = tpu.memref_squeeze %dma_start3A_636 : memref<1x16xf32, #tpu.memory_space<hbm>> -> memref<16xf32, #tpu.memory_space<hbm>>
      tpu.enqueue_dma source(%arg7 : memref<16xf32, #tpu.memory_space<vmem>>) target(%dma_start3A_637 : memref<16xf32, #tpu.memory_space<hbm>>) target_semaphore(%run_scoped3A : memref<!tpu.dma_semaphore, #tpu.memory_space<semaphore_mem>>)
      %dma_wait3A_638 = arith.constant 0 : i32
      %dma_wait3A_639 = tpu.memref_slice %arg4[%add3A, %dma_wait3A_638] : memref<32x16xf32, #tpu.memory_space<hbm>> -> memref<1x16xf32, #tpu.memory_space<hbm>>
      %dma_wait3A_640 = tpu.memref_squeeze %dma_wait3A_639 : memref<1x16xf32, #tpu.memory_space<hbm>> -> memref<16xf32, #tpu.memory_space<hbm>>
      %dma_wait3A_641 = arith.constant 0 : i32
      %dma_wait3A_642 = tpu.memref_slice %arg4[%add3A, %dma_wait3A_641] : memref<32x16xf32, #tpu.memory_space<hbm>> -> memref<1x16xf32, #tpu.memory_space<hbm>>
      %dma_wait3A_643 = tpu.memref_squeeze %dma_wait3A_642 : memref<1x16xf32, #tpu.memory_space<hbm>> -> memref<16xf32, #tpu.memory_space<hbm>>
      tpu.wait_dma2 semaphore(%run_scoped3A : memref<!tpu.dma_semaphore, #tpu.memory_space<semaphore_mem>>) src(%arg7 : memref<16xf32, #tpu.memory_space<vmem>>) dst(%dma_wait3A_643 : memref<16xf32, #tpu.memory_space<hbm>>)
      tpu.yield
    }) : () -> ()
    return
  }
}

</mosaic_0001>

<sc_bundles>
// kernel: kernel.3.cloned.1.call-start
scs
__scs_entry_jumppad:
0x0: {  	(pc) =	sbr.rel $0x88, $3  }
0x1: {  	(tag) =	ssettag $0x0;
	lr =	simm.s32 $0x1  }
0x2: {  	[smem:$0x3F9F] =	sst lr;
	_ =	strace $0xD0000000  }
0x3: {  	_ = 	snop  }
0x4: {  	_ = 	snop  }
0x5: {  	_ = 	snop  }
0x6: {  	_ = 	snop  }
0x7: {  	_ = 	snop  }
__scs_overlays_trampoline_lowered:
0x8: {  	[smem:$0x3FAE] =	sst s0  }
0x9: {  	[smem:$0x3FAF] =	sst s1  }
0xa: {  	[smem:$0x3FB0] =	sst s2  }
0xb: {  	[smem:$0x3FB1] =	sst s3  }
0xc: {  	[smem:$0x3FB2] =	sst s4  }
0xd: {  	[smem:$0x3FB3] =	sst s5  }
0xe: {  	[smem:$0x3FB4] =	sst s6  }
0xf: {  	[smem:$0x3FB5] =	sst s7  }
0x10: {  	[smem:$0x3FB6] =	sst s8  }
0x11: {  	[smem:$0x3FB7] =	sst s9;
	s0 =	simm.s32 @!p0 $0x0  }
0x12: {  	s1 =	sld [smem:$0x3F9D];
	s0 =	simm.s32 @p0 $0x1  }
0x13: {  	[smem:$0x3FB8] =	sst s0;
	s0 =	simm.s32 @!p1 $0x0  }
0x14: {  	s2 =	sld [smem:$0x3F9C];
	s0 =	simm.s32 @p1 $0x1  }
0x15: {  	[smem:$0x3FB9] =	sst s0;
	s0 =	simm.s32 @!p2 $0x0  }
0x16: {  	s3 =	sld [smem:$0x3FDB];
	s0 =	simm.s32 @p2 $0x1  }
0x17: {  	s4 =	simm.s32 $0x1BF5;
	[smem:$0x3FBB] =	sst s0  }
0x18: {  	s0 =	sld [smem:$0x3F9E];
	_ =	swait.ge [sflag:s4], $0x0  }
0x19: {  	s7 =	sld [smem:$0x3F9F]  }
0x1a: {  	s8 =	sadd.s32 $0xFFFFE003, lr  }
0x1b: {  	s9 =	sadd.s32 $0xFFFFFEF7, lr;
	s5 =	simm.s32 $0xFFFFFFFF;
	p2 =	slt.u32 s8, $0xFFFFF086  }
0x1c: {  	p1 =	slt.u32 s9, $0xF7A;
	s5 =	simm.s32 @!p2 $0x0  }
0x1d: {  	s5 =	simm.s32 @p1 $0x1;
	p0 =	seq.s32 s7, s2  }
0x1e: {  	s7 =	smul.u32 @!p0 $0xF7A, s2;
	p2 =	seq.s32 @!p0 s5, $0x0  }
0x1f: {  	s9 =	smul.u32 $0xF7A, s1;
	s8 =	simm.s32 @!p0 $0x1BF5;
	p2 =	por !p2, p0  }
0x20: {  	[sflag:s8] =	ssyncset.s32 @!p0 $0xFFFFF086;
	s6 =	sadd.s32 @!p0 s3, s7;
	s7 =	simm.s32 @!p0 $0x108  }
0x21: {  	s3 =	sadd.s32 s3, s9;
	s6 =	sadd.s32 @!p0 $0x88, s6;
	s7 =	simm.s32 @p2 $0x1082  }
0x22: {  	[simem:s7], [sflag:s8] =	dma.local @!p0 [hbm:s6], $0xF7A  }
0x23: {  	s9 =	sor.u32 $0xD0000000, s2;
	s6 =	simm.s32 $0x108;
	_ =	swait.ge @!p0 [sflag:s8], $0x0  }
0x24: {  	s3 =	sadd.s32 $0x88, s3;
	s6 =	simm.s32 @!p1 $0x1082;
	[sflag:s4] =	ssyncset.s32 $0xFFFFF086  }
0x25: {  	[simem:s6], [sflag:s4] =	dma.local [hbm:s3], $0xF7A  }
0x26: {  	[smem:$0x3F9F] =	sst s1;
	(tag) =	ssettag s2;
	_ =	strace s9  }
0x27: {  	s1 =	sld [smem:$0x3FAF]  }
0x28: {  	s2 =	sld [smem:$0x3FB0]  }
0x29: {  	s4 =	sld [smem:$0x3FB2]  }
0x2a: {  	p0 =	seq.s32 s5, $0x0;
	s5 =	sld [smem:$0x3FB3]  }
0x2b: {  	s6 =	sld [smem:$0x3FB4]  }
0x2c: {  	s7 =	sld [smem:$0x3FB5]  }
0x2d: {  	s3 =	simm.s32 $0x108;
	s8 =	sld [smem:$0x3FB6]  }
0x2e: {  	s3 =	simm.s32 @!p0 $0x1082;
	s9 =	sld [smem:$0x3FB7]  }
0x2f: {  	lr =	sadd.s32 s0, s3;
	s0 =	sld [smem:$0x3FAE]  }
0x30: {  	s3 =	sld [smem:$0x3FB1]  }
0x31: {  	[smem:$0x3FBA] =	sst s10  }
0x32: {  	s10 =	sld [smem:$0x3FB8];
	_ =	sdelay $0x3  }
0x33: {  	p0 =	seq.s32 s10, $0x1;
	s10 =	sld [smem:$0x3FBA];
	_ =	sdelay $0x3  }
0x34: {  	[smem:$0x3FBA] =	sst s10  }
0x35: {  	s10 =	sld [smem:$0x3FB9];
	_ =	sdelay $0x3  }
0x36: {  	p1 =	seq.s32 s10, $0x1;
	s10 =	sld [smem:$0x3FBA];
	_ =	sdelay $0x3  }
0x37: {  	[smem:$0x3FBA] =	sst s10  }
0x38: {  	s10 =	sld [smem:$0x3FBB]  }
0x39: {  	_ = 	snop;
	(pc) =	sbr.ind lr, $3  }
0x3a: {  	_ = 	snop  }
0x3b: {  	_ = 	snop  }
0x3c: {  	p2 =	seq.s32 s10, $0x1;
	s10 =	sld [smem:$0x3FBA]  }
0x3d: {  	_ =	shalt  }
0x3e: {  	_ =	shalt  }
0x3f: {  	_ =	shalt  }
0x40: {  	_ =	shalt  }
0x41: {  	_ =	shalt  }
0x42: {  	_ =	shalt  }
0x43: {  	_ =	shalt  }
0x44: {  	_ =	shalt  }
0x45: {  	_ =	shalt  }
0x46: {  	_ =	shalt  }
0x47: {  	_ =	shalt  }
0x48: {  	_ =	shalt  }
0x49: {  	_ =	shalt  }
0x4a: {  	_ =	shalt  }
0x4b: {  	_ =	shalt  }
0x4c: {  	_ =	shalt  }
0x4d: {  	_ =	shalt  }
0x4e: {  	_ =	shalt  }
0x4f: {  	_ =	shalt  }
0x50: {  	_ =	shalt  }
0x51: {  	_ =	shalt  }
0x52: {  	_ =	shalt  }
0x53: {  	_ =	shalt  }
0x54: {  	_ =	shalt  }
0x55: {  	_ =	shalt  }
0x56: {  	_ =	shalt  }
0x57: {  	_ =	shalt  }
0x58: {  	_ =	shalt  }
0x59: {  	_ =	shalt  }
0x5a: {  	_ =	shalt  }
0x5b: {  	_ =	shalt  }
0x5c: {  	_ =	shalt  }
0x5d: {  	_ =	shalt  }
0x5e: {  	_ =	shalt  }
0x5f: {  	_ =	shalt  }
0x60: {  	_ =	shalt  }
0x61: {  	_ =	shalt  }
0x62: {  	_ =	shalt  }
0x63: {  	_ =	shalt  }
0x64: {  	_ =	shalt  }
0x65: {  	_ =	shalt  }
0x66: {  	_ =	shalt  }
0x67: {  	_ =	shalt  }
0x68: {  	_ =	shalt  }
0x69: {  	_ =	shalt  }
0x6a: {  	_ =	shalt  }
0x6b: {  	_ =	shalt  }
0x6c: {  	_ =	shalt  }
0x6d: {  	_ =	shalt  }
0x6e: {  	_ =	shalt  }
0x6f: {  	_ =	shalt  }
0x70: {  	_ =	shalt  }
0x71: {  	_ =	shalt  }
0x72: {  	_ =	shalt  }
0x73: {  	_ =	shalt  }
0x74: {  	_ =	shalt  }
0x75: {  	_ =	shalt  }
0x76: {  	_ =	shalt  }
0x77: {  	_ =	shalt  }
0x78: {  	_ =	shalt  }
0x79: {  	_ =	shalt  }
0x7a: {  	_ =	shalt  }
0x7b: {  	_ =	shalt  }
0x7c: {  	_ =	shalt  }
0x7d: {  	_ =	shalt  }
0x7e: {  	_ =	shalt  }
0x7f: {  	_ =	shalt  }
0x80: {  	_ =	shalt  }
0x81: {  	_ =	shalt  }
0x82: {  	_ =	shalt  }
0x83: {  	_ =	shalt  }
0x84: {  	_ =	shalt  }
0x85: {  	_ =	shalt  }
0x86: {  	_ =	shalt  }
0x87: {  	_ =	shalt  }
.Lfunc_end0:
.L_simem_size_0:
called_computation_lowered:
.L_overlay_start_0:
0x88: {  	s2 =	sld [smem:$0x3FD9]  }
0x89: {  	s3 =	sld [smem:$0x3FFE];
	_ =	sdelay $0x1  }
0x8a: {  	s1 =	srdreg.scid  }
0x8b: {  	s0 =	sand.u32 $0x1, s1  }
0x8c: {  	s17 =	sshll.u32 s0, $0xA;
	s2 =	sadd.s32 s3, s2  }
0x8d: {  	s2 =	sadd.s32 s2, s17  }
0x8e: {  	[smem:$0x3FC6] =	sst s2  }
0x8f: {  	_ = 	snop  }
0x90: {  	s2 =	sld [smem:$0x3FC9]  }
0x91: {  	s18 =	sld [smem:$0x3FC8];
	(tm) =	ssettm $0x1  }
0x92: {  	s4 =	sld [smem:$0x3FFB];
	_ =	sdelay $0x3  }
0x93: {  	_ =	strace s4  }
0x94: {  	s4 =	sld [smem:$0x3FFC];
	_ =	sdelay $0x3  }
0x95: {  	_ =	strace s4  }
0x96: {  	s4 =	sld [smem:$0x3FFD];
	_ =	sdelay $0x3  }
0x97: {  	_ =	strace s4  }
0x98: {  	_ =	strace $0x8FFFFFFF  }
0x99: {  	s19 =	sld [smem:$0x3FDB];
	_ =	sdelay $0x1  }
0x9a: {  	s5 =	simm.s32 $_scs_section_size  }
0x9b: {  	s6 =	simm.s32 $_size__tile_overlayer_lowered;
	s7 =	simm.s32 $_tile_overlayer_lowered  }
0x9c: {  	s22 =	simm.s32 $0x1BFF;
	s21 =	sshll.u32 s7, $0x1;
	s4 =	sadd.s32 s5, s19  }
0x9d: {  	s8 =	simm.s32 $0x0;
	s20 =	sshll.u32 s6, $0x1;
	s6 =	sadd.s32 s21, s4  }
0x9e: {  	[timem:s8], [sflag:s22] =	dma.local [hbm:s6], s20  }
0x9f: {  	_ =	swait.ge [sflag:s22], s20  }
0xa0: {  	s5 =	ssub.s32 $0x0, s20;
	[sflag:s22] =	ssyncset.done $0x0  }
0xa1: {  	[sflag:s22] =	ssyncadd.s32 s5;
	_ =	sdelay $0x1  }
0xa2: {  	s23 =	simm.s32 $0x1B8B  }
0xa3: {  	_ =	swait.ge [sflag:s23], $0x1  }
0xa4: {  	[sflag:s23] =	ssyncset.done $0x0  }
0xa5: {  	s25 =	simm.s32 $0x1B8E;
	s24 =	sld [smem:$0x3FFE];
	[sflag:s23] =	ssyncadd.s32 $0xFFFFFFFF  }
0xa6: {  	s26 =	simm.s32 $execute0_lowered;
	[smem:$0x3FD2] =	sst s25  }
0xa7: {  	s6 =	sshll.u32 s26, $0x1;
	_ =	strace $0x80000046;
	[dreg:$0x1] =	wrdreg $0xFFFFFFFF  }
0xa8: {  	s28 =	simm.s32 $_size_execute0_lowered;
	s4 =	sadd.s32 s4, s6;
	[dreg:$0x0] =	wrdreg $0x0  }
0xa9: {  	s6 =	sshll.u32 s28, $0x1;
	[dreg:$0x2] =	wrdreg s4  }
0xaa: {  	[dreg:$0x3] =	wrdreg s6  }
0xab: {  	[dreg:$0x4] =	wrdreg $0xC0  }
0xac: {  	_ =	task [dreg:s8], $0x5FFFF  }
0xad: {  	[dreg:$0x1] =	wrdreg $0xFFFFFFFF  }
0xae: {  	[dreg:$0x0] =	wrdreg $0x60  }
0xaf: {  	[dreg:$0x2] =	wrdreg s2  }
0xb0: {  	[dreg:$0x3] =	wrdreg s18  }
0xb1: {  	[dreg:$0x4] =	wrdreg s24  }
0xb2: {  	[dreg:$0x5] =	wrdreg $0x9  }
0xb3: {  	_ =	task.clear_ibuf [dreg:s8], $0x6FFFF;
	_ =	strace $0x90000046  }
0xb4: {  	s29 =	simm.s32 $0x9;
	_ =	strace $0x80000048  }
0xb5: {  	_ =	swait.ge [sflag:s29], $0x1  }
0xb6: {  	[sflag:s29] =	ssyncadd.s32 $0xFFFFFFFF  }
0xb7: {  	_ =	strace $0x90000048  }
0xb8: {  	_ =	sfence  }
0xb9: {  	s30 =	sld [smem:$0x0];
	_ =	sdelay $0x2  }
0xba: {  	s31 =	sshll.u32 s1, $0xD;
	s1 =	sshrl.u32 s1, $0x2  }
0xbb: {  	s3 =	sand.u32 $0x4000, s31;
	s1 =	sadd.s32 s1, s30  }
0xbc: {  	s0 =	sor.u32 s3, s0;
	s1 =	sshll.u32 s1, $0x11  }
0xbd: {  	s0 =	sor.u32 s1, s0  }
0xbe: {  	s0 =	sadd.s32 $0x8F2B, s0  }
0xbf: {  	[sflag:s0] =	ssyncadd.remote.s32 $0x1  }
0xc0: {  	_ =	sfence.sel $0xFFFF  }
0xc1: {  	[dreg:$0x0] =	wrdreg $0xFFFFFFFF;
	(pc) =	sbr.abs _section_cstart, $3  }
0xc2: {  	[dreg:$0x1] =	wrdreg $0xFFFFFFFF  }
0xc3: {  	_ =	task.clear_ibuf [dreg:s8], $0x2FFFF;
	_ =	strace $0x9FFFFFFF  }
0xc4: {  	(tm) =	ssettm $0x7FFFFFFF  }
0xc5: {  	_ =	shalt  }
tec
execute0_lowered:
.L_overlay_start_1:
0x0: {  	(tag) =	ssettag $0x1  }
0x1: {  	s0 =	rddreg [dreg:$0x0]  }
0x2: {  	v0 =	vimm.s32 $0xFEDCBA98;
	s5 =	rddreg [dreg:$0x1];
	v1 =	vimm.s32 $0x76543210;
	v2 =	vimm.s32 $0xBA98FEDC  }
0x3: {  	s6 =	rddreg [dreg:$0x2];
	v3 =	vimm.s32 $0x32107654;
	v4 =	vimm.s32 $0xDCFE98BA;
	v5 =	vimm.s32 $0x54761032  }
0x4: {  	s1 =	rddreg [dreg:$0x3];
	s2 =	simm.s32 $0x0;
	v6 =	vimm.s32 $0xEFCDAB89;
	v7 =	vimm.s32 $0x67452301;
	vm0 =	vcmask $0x310  }
0x5: {  	s4 =	srdreg.scid;
	s3 =	stileid.u32;
	s11 =	simm.s32 $0x10000;
	v0 =	vunpack.c.l.s4.s8 v0;
	v1 =	vunpack.c.l.s4.s8 v1;
	v2 =	vunpack.c.l.s4.s8 v2  }
0x6: {  	s12 =	simm.s32 $0x3;
	s13 =	simm.s32 $0x1;
	s14 =	simm.s32 $0x2;
	v3 =	vunpack.c.l.s4.s8 v3;
	v4 =	vunpack.c.l.s4.s8 v4;
	v5 =	vunpack.c.l.s4.s8 v5  }
0x7: {  	s15 =	simm.s32 $0x10100;
	s16 =	simm.s32 $0x0;
	[smem:$0x7FF] =	sst s2;
	v6 =	vunpack.c.l.s4.s8 v6;
	v7 =	vunpack.c.l.s4.s8 v7;
	v0 =	vunpack.c.0.s8.s32 v0  }
0x8: {  	s7 =	sand.u32 $0x1, s4;
	s26 =	sshll.u32 s3, $0x5;
	s9 =	sshll.u32 s3, $0xF;
	v2 =	vunpack.c.0.s8.s32 v2;
	v3 =	vunpack.c.0.s8.s32 v3;
	v4 =	vunpack.c.0.s8.s32 v4  }
0x9: {  	_ =	strace $0x80000047;
	s8 =	sshll.u32 s7, $0x4;
	s10 =	sshll.u32 s7, $0x6;
	v5 =	vunpack.c.0.s8.s32 v5;
	v6 =	vunpack.c.0.s8.s32 v6;
	v7 =	vunpack.c.0.s8.s32 v7  }
0xa: {  	vm1 =	vcmask $0x710;
	s7 =	ssub.s32 $0x2, s7;
	s4 =	sor.u32 s8, s26;
	s28 =	sor.u32 s10, s9;
	v1 =	vunpack.c.0.s8.s32 v1;
	v2 =	vcombine.low v3, v2  }
0xb: {  	s30 =	sshrl.u32 s7, $0x1;
	s29 =	sadd.s32 s4, s6;
	s5 =	sadd.s32 s5, s28;
	v3 =	vcombine.low v5, v4;
	v4 =	vand.u32 $0xF, v0;
	v5 =	vcombine.low v7, v6  }
0xc: {  	vm2 =	vcmask $0xB10;
	s31 =	ssub.s32 s7, s30;
	s6 =	sadd.s32 $0x10, s5;
	s7 =	sadd.s32 $0x20, s5;
	v0 =	vimm.f32 $0.0e+00;
	v1 =	vcombine.low v4, v1  }
0xd: {  	s8 =	sadd.s32 $0x30, s5;
	s9 =	sadd.s32 $0x400, s29;
	s10 =	smax.u32 s31, $0x1;
	v2 =	vand.u32 $0xF, v2;
	v3 =	vand.u32 $0xF, v3;
	v4 =	vand.u32 $0xF, v5  }
.LBB2_1:
0xe: {  	[tilespmem:s11], [sflag:$0x3] =	stream.linear.gather [hbm4b:s0+s2], $0x80, $0x38;
	[tilespmem:$0x10180] =	vst v63  }
0xf: {  	_ =	swait.ge [sflag:s12], $0x80  }
0x10: {  	[sflag:s12] =	ssyncset.done $0x0  }
0x11: {  	s17 =	simm.s32 $0x80;
	[sflag:s12] =	ssyncadd.s32 $0xFFFFFF80  }
0x12: {  	s20 =	sadd.s32 $0x0, s5;
	s18 =	simm.s32 $0x100;
	s19 =	simm.s32 $0x0;
	[tilespmem:$0x10080] =	vst v0  }
.LBB2_2:
0x13: {  	[tilespmem:s19], [sflag:$0x1] =	stream.linear.gather [hbm4b:s20+s2], $0x80, $0x38;
	[tilespmem:$0x10180] =	vst v63  }
0x14: {  	s20 =	smov.u32 s17;
	s19 =	smov.u32 s18;
	p0 =	sne.s32 s17, $0x7F80  }
.Ltmp0:
0x15: {  	s17 =	sadd.s32 $0x80, s17;
	(pc) =	sbr.rel @p0 .LBB2_2-.Ltmp0, $2  }
0x16: {  	_ =	sdelay $0x2  }
0x17: {  	s18 =	sadd.s32 $0x100, s18;
	s20 =	sadd.s32 s20, s5  }
0x18: {  	[tilespmem:s19], [sflag:$0x1] =	stream.linear.gather [hbm4b:s20+s2], $0x80, $0x38;
	[tilespmem:$0x10180] =	vst v63  }
0x19: {  	s17 =	simm.s32 $0x80  }
0x1a: {  	s18 =	simm.s32 $0x80;
	s20 =	sadd.s32 $0x0, s6;
	s19 =	simm.s32 $0x180  }
.LBB2_4:
0x1b: {  	[tilespmem:s17], [sflag:$0x2] =	stream.linear.gather [hbm4b:s20+s2], $0x80, $0x38;
	[tilespmem:$0x10180] =	vst v63  }
0x1c: {  	s20 =	smov.u32 s18;
	s17 =	smov.u32 s19;
	p0 =	sne.s32 s18, $0x7F80  }
.Ltmp1:
0x1d: {  	s18 =	sadd.s32 $0x80, s18;
	(pc) =	sbr.rel @p0 .LBB2_4-.Ltmp1, $2  }
0x1e: {  	_ =	sdelay $0x2  }
0x1f: {  	s19 =	sadd.s32 $0x100, s19;
	s20 =	sadd.s32 s20, s6  }
0x20: {  	[tilespmem:s17], [sflag:$0x2] =	stream.linear.gather [hbm4b:s20+s2], $0x80, $0x38;
	[tilespmem:$0x10180] =	vst v63  }
0x21: {  	_ =	swait.ge [sflag:s13], $0x8000  }
0x22: {  	[sflag:s13] =	ssyncset.done $0x0  }
0x23: {  	s18 =	simm.s32 $0x0;
	[sflag:s13] =	ssyncadd.s32 $0xFFFF8000  }
0x24: {  	v6 =	vld [tilespmem:s18+$0x140]  }
0x25: {  	v7 =	vld [tilespmem:s18+$0x150]  }
0x26: {  	v8 =	vld [tilespmem:s18+$0x160]  }
0x27: {  	v9 =	vld [tilespmem:s18+$0x170]  }
0x28: {  	v10 =	vld [tilespmem:s18+$0x0]  }
0x29: {  	v12 =	vld [tilespmem:s18+$0x10]  }
0x2a: {  	v18 =	vld [tilespmem:s18+$0x60]  }
0x2b: {  	v20 =	vld [tilespmem:s18+$0x70]  }
0x2c: {  	v13 =	vld [tilespmem:s18+$0x20]  }
0x2d: {  	v14 =	vld [tilespmem:s18+$0x30]  }
0x2e: {  	v5 =	vimm.f32 $-3.402823470e+38;
	v15 =	vld [tilespmem:s18+$0x40]  }
0x2f: {  	v11 =	vimm.f32 $3.402823470e+38;
	v16 =	vld [tilespmem:s18+$0x50];
	v17 =	vmax.f32 v6, v7;
	v19 =	vmax.f32 v8, v9  }
0x30: {  	v6 =	vmin.f32 v6, v7;
	v7 =	vmin.f32 v8, v9;
	v21 =	vmax.f32 v18, v20  }
0x31: {  	v18 =	vmin.f32 v18, v20;
	v8 =	vmax.f32 v17, v19;
	v19 =	vld [tilespmem:s18+$0x100];
	v6 =	vmin.f32 v6, v7  }
0x32: {  	v17 =	vmax.f32 v10, v12;
	v10 =	vmin.f32 v10, v12;
	v12 =	vld [tilespmem:s18+$0x110];
	v7 =	vmin.f32 v11, v6  }
0x33: {  	v6 =	vmax.f32 v13, v14;
	v13 =	vmin.f32 v13, v14;
	v9 =	vmax.f32 v5, v8;
	v14 =	vld [tilespmem:s18+$0x120]  }
0x34: {  	s17 =	simm.s32 $0x200;
	v6 =	vmax.f32 v17, v6;
	v8 =	vmin.f32 v10, v13;
	v10 =	vmax.f32 v15, v16;
	v17 =	vld [tilespmem:s18+$0x130]  }
0x35: {  	v16 =	vmin.f32 v15, v16;
	v13 =	vld [tilespmem:s17+$0x140];
	v6 =	vmax.f32 v5, v6;
	v10 =	vmax.f32 v10, v21  }
0x36: {  	v15 =	vld [tilespmem:s17+$0x150];
	v8 =	vmin.f32 v11, v8;
	v20 =	vmin.f32 v16, v18;
	v10 =	vmax.f32 v5, v10  }
0x37: {  	s18 =	simm.s32 $0x1000;
	v16 =	vld [tilespmem:s17+$0x160];
	v18 =	vmax.f32 v19, v12;
	v19 =	vmin.f32 v19, v12;
	v12 =	vimm.f32 $3.402823470e+38  }
.LBB2_6:
0x38: {  	p0 =	sne.s32 s18, $0x3F800;
	v21 =	vld [tilespmem:s17+$0x170];
	v11 =	vmin.f32 v11, v20  }
0x39: {  	v20 =	vld [tilespmem:s17+$0x0];
	v22 =	vmax.f32 v14, v17;
	v14 =	vmin.f32 v14, v17  }
0x3a: {  	v17 =	vld [tilespmem:s17+$0x10];
	v18 =	vmax.f32 v18, v22;
	v14 =	vmin.f32 v19, v14  }
0x3b: {  	v19 =	vld [tilespmem:s17+$0x20];
	v22 =	vmax.f32 v13, v15;
	v5 =	vmax.f32 v5, v18;
	v12 =	vmin.f32 v12, v14  }
0x3c: {  	v14 =	vld [tilespmem:s17+$0x30]  }
0x3d: {  	v13 =	vmin.f32 v13, v15;
	v18 =	vld [tilespmem:s17+$0x40];
	v23 =	vmax.f32 v16, v21;
	v15 =	vmin.f32 v16, v21  }
0x3e: {  	v16 =	vld [tilespmem:s17+$0x50];
	v21 =	vmax.f32 v22, v23;
	v13 =	vmin.f32 v13, v15  }
0x3f: {  	v15 =	vld [tilespmem:s17+$0x60];
	v22 =	vmax.f32 v20, v17;
	v17 =	vmin.f32 v20, v17;
	v7 =	vmin.f32 v7, v13  }
0x40: {  	v9 =	vmax.f32 v9, v21;
	v20 =	vld [tilespmem:s17+$0x70]  }
0x41: {  	v21 =	vld [tilespmem:s17+$0x100];
	v13 =	vmax.f32 v19, v14;
	v14 =	vmin.f32 v19, v14  }
0x42: {  	v19 =	vld [tilespmem:s17+$0x110];
	v13 =	vmax.f32 v22, v13;
	v22 =	vmin.f32 v17, v14  }
.Ltmp2:
0x43: {  	v14 =	vld [tilespmem:s17+$0x120];
	v23 =	vmax.f32 v18, v16;
	v16 =	vmin.f32 v18, v16;
	v6 =	vmax.f32 v6, v13;
	(pc) =	sbr.rel @p0 .LBB2_6-.Ltmp2, $4  }
0x44: {  	v8 =	vmin.f32 v8, v22;
	v17 =	vld [tilespmem:s17+$0x130];
	s17 =	sshra.s32 s18, $0x2  }
0x45: {  	v13 =	vld [tilespmem:s17+$0x140];
	v18 =	vmax.f32 v15, v20;
	v20 =	vmin.f32 v15, v20  }
0x46: {  	v15 =	vld [tilespmem:s17+$0x150];
	v22 =	vmax.f32 v23, v18;
	v20 =	vmin.f32 v16, v20  }
0x47: {  	s18 =	sadd.s32 $0x800, s18;
	v16 =	vld [tilespmem:s17+$0x160];
	v18 =	vmax.f32 v21, v19;
	v19 =	vmin.f32 v21, v19;
	v10 =	vmax.f32 v10, v22  }
0x48: {  	v21 =	vld [tilespmem:s17+$0x170]  }
0x49: {  	v22 =	vld [tilespmem:s17+$0x0]  }
0x4a: {  	v23 =	vld [tilespmem:s17+$0x10]  }
0x4b: {  	v24 =	vld [tilespmem:s17+$0x20]  }
0x4c: {  	v25 =	vld [tilespmem:s17+$0x30]  }
0x4d: {  	v26 =	vld [tilespmem:s17+$0x40]  }
0x4e: {  	v28 =	vld [tilespmem:s17+$0x50]  }
0x4f: {  	v42 =	vld [tilespmem:s17+$0x60]  }
0x50: {  	v44 =	vld [tilespmem:s17+$0x70]  }
0x51: {  	v48 =	vld [tilespmem:s17+$0x100]  }
0x52: {  	v50 =	vld [tilespmem:s17+$0x110];
	v27 =	vmax.f32 v14, v17  }
0x53: {  	v11 =	vmin.f32 v11, v20;
	v53 =	vld [tilespmem:s17+$0x120];
	v40 =	vmin.f32 v14, v17;
	v41 =	vmax.f32 v18, v27  }
0x54: {  	v56 =	vld [tilespmem:s17+$0x130];
	v14 =	vmin.f32 v19, v40;
	v43 =	vmax.f32 v13, v15;
	v5 =	vmax.f32 v5, v41  }
0x55: {  	v45 =	vmin.f32 v13, v15;
	v12 =	vmin.f32 v12, v14;
	v46 =	vmax.f32 v16, v21  }
0x56: {  	v47 =	vmin.f32 v16, v21;
	v51 =	vmax.f32 v22, v23;
	v52 =	vmin.f32 v22, v23  }
0x57: {  	v54 =	vmax.f32 v24, v25;
	v55 =	vmin.f32 v24, v25;
	v58 =	vmax.f32 v26, v28  }
0x58: {  	v59 =	vmin.f32 v26, v28;
	v60 =	vmax.f32 v42, v44;
	v61 =	vmin.f32 v42, v44  }
0x59: {  	v62 =	vmax.f32 v48, v50;
	v15 =	vmin.f32 v48, v50;
	v63 =	vmax.f32 v53, v56  }
0x5a: {  	v49 =	vmax.f32 v43, v46;
	v13 =	vmin.f32 v45, v47;
	v14 =	vmax.f32 v51, v54  }
0x5b: {  	v57 =	vmin.f32 v52, v55;
	v16 =	vmin.f32 v59, v61;
	v7 =	vmin.f32 v7, v13  }
0x5c: {  	v9 =	vmax.f32 v9, v49;
	v6 =	vmax.f32 v6, v14;
	v8 =	vmin.f32 v8, v57  }
0x5d: {  	v14 =	vmax.f32 v58, v60;
	v13 =	vmin.f32 v53, v56;
	v11 =	vmin.f32 v11, v16  }
0x5e: {  	v10 =	vmax.f32 v10, v14;
	v14 =	vmax.f32 v62, v63;
	v13 =	vmin.f32 v15, v13  }
0x5f: {  	v8 =	vmin.f32 v8, v11;
	v5 =	vmax.f32 v5, v14;
	v12 =	vmin.f32 v12, v13  }
0x60: {  	v6 =	vmax.f32 v6, v10;
	v5 =	vmax.f32 v5, v9;
	v7 =	vmin.f32 v12, v7  }
0x61: {  	v5 =	vmax.f32 v6, v5;
	v6 =	vmin.f32 v8, v7  }
0x62: {  	v7 =	vperm.xlane v5, v1;
	v8 =	vperm.xlane v6, v1;
	_ =	sdelay $0x1  }
0x63: {  	v5 =	vmax.f32 v5, v7;
	v6 =	vmin.f32 v6, v8  }
0x64: {  	v7 =	vperm.xlane v5, v2;
	v8 =	vperm.xlane v6, v2;
	_ =	sdelay $0x1  }
0x65: {  	v5 =	vmax.f32 v5, v7;
	v6 =	vmin.f32 v6, v8  }
0x66: {  	v7 =	vperm.xlane v5, v3;
	v8 =	vperm.xlane v6, v3;
	_ =	sdelay $0x1  }
0x67: {  	s17 =	simm.s32 $0x0;
	v5 =	vmax.f32 v5, v7;
	v6 =	vmin.f32 v6, v8  }
0x68: {  	s18 =	simm.s32 $0x80;
	s20 =	sadd.s32 $0x0, s7;
	s19 =	simm.s32 $0x100;
	v7 =	vperm.xlane v5, v4;
	v8 =	vperm.xlane v6, v4  }
.LBB2_8:
0x69: {  	[tilespmem:s17], [sflag:$0x1] =	stream.linear.gather [hbm4b:s20+s2], $0x80, $0x38;
	[tilespmem:$0x10180] =	vst v63  }
0x6a: {  	s20 =	smov.u32 s18;
	s17 =	smov.u32 s19;
	p0 =	sne.s32 s18, $0x7F80  }
.Ltmp3:
0x6b: {  	s18 =	sadd.s32 $0x80, s18;
	(pc) =	sbr.rel @p0 .LBB2_8-.Ltmp3, $2  }
0x6c: {  	_ =	sdelay $0x2  }
0x6d: {  	s19 =	sadd.s32 $0x100, s19;
	s20 =	sadd.s32 s20, s7  }
0x6e: {  	[tilespmem:s17], [sflag:$0x1] =	stream.linear.gather [hbm4b:s20+s2], $0x80, $0x38;
	[tilespmem:$0x10180] =	vst v63  }
0x6f: {  	_ =	swait.ge [sflag:s14], $0x8000  }
0x70: {  	[sflag:s14] =	ssyncset.done $0x0  }
0x71: {  	s18 =	simm.s32 $0x0;
	[sflag:s14] =	ssyncadd.s32 $0xFFFF8000  }
0x72: {  	v10 =	vld [tilespmem:s18+$0x1C0]  }
0x73: {  	v11 =	vld [tilespmem:s18+$0x1D0]  }
0x74: {  	v12 =	vld [tilespmem:s18+$0x1E0]  }
0x75: {  	v13 =	vld [tilespmem:s18+$0x1F0]  }
0x76: {  	v14 =	vld [tilespmem:s18+$0x80]  }
0x77: {  	v16 =	vld [tilespmem:s18+$0x90]  }
0x78: {  	v22 =	vld [tilespmem:s18+$0xE0]  }
0x79: {  	v24 =	vld [tilespmem:s18+$0xF0]  }
0x7a: {  	v17 =	vld [tilespmem:s18+$0xA0]  }
0x7b: {  	v18 =	vld [tilespmem:s18+$0xB0]  }
0x7c: {  	v9 =	vimm.f32 $-3.402823470e+38;
	v19 =	vld [tilespmem:s18+$0xC0]  }
0x7d: {  	v15 =	vimm.f32 $3.402823470e+38;
	v20 =	vld [tilespmem:s18+$0xD0];
	v21 =	vmax.f32 v10, v11;
	v23 =	vmax.f32 v12, v13  }
0x7e: {  	v10 =	vmin.f32 v10, v11;
	v11 =	vmin.f32 v12, v13;
	v25 =	vmax.f32 v22, v24  }
0x7f: {  	v22 =	vmin.f32 v22, v24;
	v12 =	vmax.f32 v21, v23;
	v23 =	vld [tilespmem:s18+$0x180];
	v10 =	vmin.f32 v10, v11  }
0x80: {  	v21 =	vmax.f32 v14, v16;
	v14 =	vmin.f32 v14, v16;
	v16 =	vld [tilespmem:s18+$0x190];
	v11 =	vmin.f32 v15, v10  }
0x81: {  	v10 =	vmax.f32 v17, v18;
	v17 =	vmin.f32 v17, v18;
	v13 =	vmax.f32 v9, v12;
	v18 =	vld [tilespmem:s18+$0x1A0]  }
0x82: {  	s17 =	simm.s32 $0x200;
	v10 =	vmax.f32 v21, v10;
	v12 =	vmin.f32 v14, v17;
	v14 =	vmax.f32 v19, v20;
	v21 =	vld [tilespmem:s18+$0x1B0]  }
0x83: {  	v20 =	vmin.f32 v19, v20;
	v17 =	vld [tilespmem:s17+$0x1C0];
	v10 =	vmax.f32 v9, v10;
	v14 =	vmax.f32 v14, v25  }
0x84: {  	v19 =	vld [tilespmem:s17+$0x1D0];
	v12 =	vmin.f32 v15, v12;
	v24 =	vmin.f32 v20, v22;
	v14 =	vmax.f32 v9, v14  }
0x85: {  	s18 =	simm.s32 $0x1000;
	v20 =	vld [tilespmem:s17+$0x1E0];
	v22 =	vmax.f32 v23, v16;
	v23 =	vmin.f32 v23, v16;
	v16 =	vimm.f32 $3.402823470e+38  }
.LBB2_10:
0x86: {  	p0 =	sne.s32 s18, $0x3F800;
	v25 =	vld [tilespmem:s17+$0x1F0];
	v15 =	vmin.f32 v15, v24  }
0x87: {  	v24 =	vld [tilespmem:s17+$0x80];
	v26 =	vmax.f32 v18, v21;
	v18 =	vmin.f32 v18, v21  }
0x88: {  	v21 =	vld [tilespmem:s17+$0x90];
	v22 =	vmax.f32 v22, v26;
	v18 =	vmin.f32 v23, v18  }
0x89: {  	v23 =	vld [tilespmem:s17+$0xA0];
	v26 =	vmax.f32 v17, v19;
	v9 =	vmax.f32 v9, v22;
	v16 =	vmin.f32 v16, v18  }
0x8a: {  	v18 =	vld [tilespmem:s17+$0xB0]  }
0x8b: {  	v17 =	vmin.f32 v17, v19;
	v22 =	vld [tilespmem:s17+$0xC0];
	v27 =	vmax.f32 v20, v25;
	v19 =	vmin.f32 v20, v25  }
0x8c: {  	v20 =	vld [tilespmem:s17+$0xD0];
	v25 =	vmax.f32 v26, v27;
	v17 =	vmin.f32 v17, v19  }
0x8d: {  	v19 =	vld [tilespmem:s17+$0xE0];
	v26 =	vmax.f32 v24, v21;
	v21 =	vmin.f32 v24, v21;
	v11 =	vmin.f32 v11, v17  }
0x8e: {  	v13 =	vmax.f32 v13, v25;
	v24 =	vld [tilespmem:s17+$0xF0]  }
0x8f: {  	v25 =	vld [tilespmem:s17+$0x180];
	v17 =	vmax.f32 v23, v18;
	v18 =	vmin.f32 v23, v18  }
0x90: {  	v23 =	vld [tilespmem:s17+$0x190];
	v17 =	vmax.f32 v26, v17;
	v26 =	vmin.f32 v21, v18  }
.Ltmp4:
0x91: {  	v18 =	vld [tilespmem:s17+$0x1A0];
	v27 =	vmax.f32 v22, v20;
	v20 =	vmin.f32 v22, v20;
	v10 =	vmax.f32 v10, v17;
	(pc) =	sbr.rel @p0 .LBB2_10-.Ltmp4, $4  }
0x92: {  	v12 =	vmin.f32 v12, v26;
	v21 =	vld [tilespmem:s17+$0x1B0];
	s17 =	sshra.s32 s18, $0x2  }
0x93: {  	v17 =	vld [tilespmem:s17+$0x1C0];
	v22 =	vmax.f32 v19, v24;
	v24 =	vmin.f32 v19, v24  }
0x94: {  	v19 =	vld [tilespmem:s17+$0x1D0];
	v26 =	vmax.f32 v27, v22;
	v24 =	vmin.f32 v20, v24  }
0x95: {  	s18 =	sadd.s32 $0x800, s18;
	v20 =	vld [tilespmem:s17+$0x1E0];
	v22 =	vmax.f32 v25, v23;
	v23 =	vmin.f32 v25, v23;
	v14 =	vmax.f32 v14, v26  }
0x96: {  	v25 =	vld [tilespmem:s17+$0x1F0]  }
0x97: {  	v26 =	vld [tilespmem:s17+$0x80]  }
0x98: {  	v27 =	vld [tilespmem:s17+$0x90]  }
0x99: {  	v28 =	vld [tilespmem:s17+$0xA0]  }
0x9a: {  	v29 =	vld [tilespmem:s17+$0xB0]  }
0x9b: {  	v30 =	vld [tilespmem:s17+$0xC0]  }
0x9c: {  	v32 =	vld [tilespmem:s17+$0xD0]  }
0x9d: {  	v42 =	vld [tilespmem:s17+$0xE0]  }
0x9e: {  	v44 =	vld [tilespmem:s17+$0xF0]  }
0x9f: {  	v48 =	vld [tilespmem:s17+$0x180]  }
0xa0: {  	v50 =	vld [tilespmem:s17+$0x190];
	v31 =	vmax.f32 v18, v21  }
0xa1: {  	v15 =	vmin.f32 v15, v24;
	v53 =	vld [tilespmem:s17+$0x1A0];
	v40 =	vmin.f32 v18, v21;
	v41 =	vmax.f32 v22, v31  }
0xa2: {  	v56 =	vld [tilespmem:s17+$0x1B0];
	v18 =	vmin.f32 v23, v40;
	v43 =	vmax.f32 v17, v19;
	v9 =	vmax.f32 v9, v41  }
0xa3: {  	v45 =	vmin.f32 v17, v19;
	v16 =	vmin.f32 v16, v18;
	v46 =	vmax.f32 v20, v25  }
0xa4: {  	v47 =	vmin.f32 v20, v25;
	v51 =	vmax.f32 v26, v27;
	v52 =	vmin.f32 v26, v27  }
0xa5: {  	v54 =	vmax.f32 v28, v29;
	v55 =	vmin.f32 v28, v29;
	v58 =	vmax.f32 v30, v32  }
0xa6: {  	v59 =	vmin.f32 v30, v32;
	v60 =	vmax.f32 v42, v44;
	v61 =	vmin.f32 v42, v44  }
0xa7: {  	v62 =	vmax.f32 v48, v50;
	v19 =	vmin.f32 v48, v50;
	v63 =	vmax.f32 v53, v56  }
0xa8: {  	v49 =	vmax.f32 v43, v46;
	v17 =	vmin.f32 v45, v47;
	v18 =	vmax.f32 v51, v54  }
0xa9: {  	v57 =	vmin.f32 v52, v55;
	v20 =	vmin.f32 v59, v61;
	v11 =	vmin.f32 v11, v17  }
0xaa: {  	v13 =	vmax.f32 v13, v49;
	v10 =	vmax.f32 v10, v18;
	v12 =	vmin.f32 v12, v57  }
0xab: {  	v18 =	vmax.f32 v58, v60;
	v17 =	vmin.f32 v53, v56;
	v15 =	vmin.f32 v15, v20  }
0xac: {  	v14 =	vmax.f32 v14, v18;
	v18 =	vmax.f32 v62, v63;
	v17 =	vmin.f32 v19, v17  }
0xad: {  	v12 =	vmin.f32 v12, v15;
	v9 =	vmax.f32 v9, v18;
	v16 =	vmin.f32 v16, v17  }
0xae: {  	v10 =	vmax.f32 v10, v14;
	v9 =	vmax.f32 v9, v13;
	v11 =	vmin.f32 v16, v11  }
0xaf: {  	v9 =	vmax.f32 v10, v9;
	v10 =	vmin.f32 v12, v11  }
0xb0: {  	v11 =	vperm.xlane v9, v1;
	v12 =	vperm.xlane v10, v1;
	_ =	sdelay $0x1  }
0xb1: {  	v9 =	vmax.f32 v9, v11;
	v10 =	vmin.f32 v10, v12  }
0xb2: {  	v11 =	vperm.xlane v9, v2;
	v12 =	vperm.xlane v10, v2;
	_ =	sdelay $0x1  }
0xb3: {  	v9 =	vmax.f32 v9, v11;
	v10 =	vmin.f32 v10, v12  }
0xb4: {  	v11 =	vperm.xlane v9, v3;
	v12 =	vperm.xlane v10, v3;
	_ =	sdelay $0x1  }
0xb5: {  	s17 =	simm.s32 $0x80;
	v9 =	vmax.f32 v9, v11;
	v10 =	vmin.f32 v10, v12  }
0xb6: {  	s18 =	simm.s32 $0x80;
	s20 =	sadd.s32 $0x0, s8;
	s19 =	simm.s32 $0x180;
	v11 =	vperm.xlane v9, v4;
	v12 =	vperm.xlane v10, v4  }
.LBB2_12:
0xb7: {  	[tilespmem:s17], [sflag:$0x2] =	stream.linear.gather [hbm4b:s20+s2], $0x80, $0x38;
	[tilespmem:$0x10180] =	vst v63  }
0xb8: {  	s20 =	smov.u32 s18;
	s17 =	smov.u32 s19;
	p0 =	sne.s32 s18, $0x7F80  }
.Ltmp5:
0xb9: {  	s18 =	sadd.s32 $0x80, s18;
	(pc) =	sbr.rel @p0 .LBB2_12-.Ltmp5, $2  }
0xba: {  	_ =	sdelay $0x2  }
0xbb: {  	s19 =	sadd.s32 $0x100, s19;
	s20 =	sadd.s32 s20, s8  }
0xbc: {  	[tilespmem:s17], [sflag:$0x2] =	stream.linear.gather [hbm4b:s20+s2], $0x80, $0x38;
	[tilespmem:$0x10180] =	vst v63  }
0xbd: {  	_ =	swait.ge [sflag:s13], $0x8000  }
0xbe: {  	[sflag:s13] =	ssyncset.done $0x0  }
0xbf: {  	s18 =	simm.s32 $0x0;
	[sflag:s13] =	ssyncadd.s32 $0xFFFF8000  }
0xc0: {  	v14 =	vld [tilespmem:s18+$0x140]  }
0xc1: {  	v15 =	vld [tilespmem:s18+$0x150]  }
0xc2: {  	v16 =	vld [tilespmem:s18+$0x160]  }
0xc3: {  	v17 =	vld [tilespmem:s18+$0x170]  }
0xc4: {  	v18 =	vld [tilespmem:s18+$0x0]  }
0xc5: {  	v20 =	vld [tilespmem:s18+$0x10]  }
0xc6: {  	v26 =	vld [tilespmem:s18+$0x60]  }
0xc7: {  	v28 =	vld [tilespmem:s18+$0x70]  }
0xc8: {  	v21 =	vld [tilespmem:s18+$0x20]  }
0xc9: {  	v22 =	vld [tilespmem:s18+$0x30]  }
0xca: {  	v13 =	vimm.f32 $-3.402823470e+38;
	v23 =	vld [tilespmem:s18+$0x40]  }
0xcb: {  	v19 =	vimm.f32 $3.402823470e+38;
	v24 =	vld [tilespmem:s18+$0x50];
	v25 =	vmax.f32 v14, v15;
	v27 =	vmax.f32 v16, v17  }
0xcc: {  	v14 =	vmin.f32 v14, v15;
	v15 =	vmin.f32 v16, v17;
	v29 =	vmax.f32 v26, v28  }
0xcd: {  	v26 =	vmin.f32 v26, v28;
	v16 =	vmax.f32 v25, v27;
	v27 =	vld [tilespmem:s18+$0x100];
	v14 =	vmin.f32 v14, v15  }
0xce: {  	v25 =	vmax.f32 v18, v20;
	v18 =	vmin.f32 v18, v20;
	v20 =	vld [tilespmem:s18+$0x110];
	v15 =	vmin.f32 v19, v14  }
0xcf: {  	v14 =	vmax.f32 v21, v22;
	v21 =	vmin.f32 v21, v22;
	v17 =	vmax.f32 v13, v16;
	v22 =	vld [tilespmem:s18+$0x120]  }
0xd0: {  	s17 =	simm.s32 $0x200;
	v14 =	vmax.f32 v25, v14;
	v16 =	vmin.f32 v18, v21;
	v18 =	vmax.f32 v23, v24;
	v25 =	vld [tilespmem:s18+$0x130]  }
0xd1: {  	v24 =	vmin.f32 v23, v24;
	v21 =	vld [tilespmem:s17+$0x140];
	v14 =	vmax.f32 v13, v14;
	v18 =	vmax.f32 v18, v29  }
0xd2: {  	v23 =	vld [tilespmem:s17+$0x150];
	v16 =	vmin.f32 v19, v16;
	v28 =	vmin.f32 v24, v26;
	v18 =	vmax.f32 v13, v18  }
0xd3: {  	s18 =	simm.s32 $0x1000;
	v24 =	vld [tilespmem:s17+$0x160];
	v26 =	vmax.f32 v27, v20;
	v27 =	vmin.f32 v27, v20;
	v20 =	vimm.f32 $3.402823470e+38  }
.LBB2_14:
0xd4: {  	p0 =	sne.s32 s18, $0x3F800;
	v29 =	vld [tilespmem:s17+$0x170];
	v19 =	vmin.f32 v19, v28  }
0xd5: {  	v28 =	vld [tilespmem:s17+$0x0];
	v30 =	vmax.f32 v22, v25;
	v22 =	vmin.f32 v22, v25  }
0xd6: {  	v25 =	vld [tilespmem:s17+$0x10];
	v26 =	vmax.f32 v26, v30;
	v22 =	vmin.f32 v27, v22  }
0xd7: {  	v27 =	vld [tilespmem:s17+$0x20];
	v30 =	vmax.f32 v21, v23;
	v13 =	vmax.f32 v13, v26;
	v20 =	vmin.f32 v20, v22  }
0xd8: {  	v22 =	vld [tilespmem:s17+$0x30]  }
0xd9: {  	v21 =	vmin.f32 v21, v23;
	v26 =	vld [tilespmem:s17+$0x40];
	v31 =	vmax.f32 v24, v29;
	v23 =	vmin.f32 v24, v29  }
0xda: {  	v24 =	vld [tilespmem:s17+$0x50];
	v29 =	vmax.f32 v30, v31;
	v21 =	vmin.f32 v21, v23  }
0xdb: {  	v23 =	vld [tilespmem:s17+$0x60];
	v30 =	vmax.f32 v28, v25;
	v25 =	vmin.f32 v28, v25;
	v15 =	vmin.f32 v15, v21  }
0xdc: {  	v17 =	vmax.f32 v17, v29;
	v28 =	vld [tilespmem:s17+$0x70]  }
0xdd: {  	v29 =	vld [tilespmem:s17+$0x100];
	v21 =	vmax.f32 v27, v22;
	v22 =	vmin.f32 v27, v22  }
0xde: {  	v27 =	vld [tilespmem:s17+$0x110];
	v21 =	vmax.f32 v30, v21;
	v30 =	vmin.f32 v25, v22  }
.Ltmp6:
0xdf: {  	v22 =	vld [tilespmem:s17+$0x120];
	v31 =	vmax.f32 v26, v24;
	v24 =	vmin.f32 v26, v24;
	v14 =	vmax.f32 v14, v21;
	(pc) =	sbr.rel @p0 .LBB2_14-.Ltmp6, $4  }
0xe0: {  	v16 =	vmin.f32 v16, v30;
	v25 =	vld [tilespmem:s17+$0x130];
	s17 =	sshra.s32 s18, $0x2  }
0xe1: {  	v21 =	vld [tilespmem:s17+$0x140];
	v26 =	vmax.f32 v23, v28;
	v28 =	vmin.f32 v23, v28  }
0xe2: {  	v23 =	vld [tilespmem:s17+$0x150];
	v30 =	vmax.f32 v31, v26;
	v28 =	vmin.f32 v24, v28  }
0xe3: {  	s18 =	sadd.s32 $0x800, s18;
	v24 =	vld [tilespmem:s17+$0x160];
	v26 =	vmax.f32 v29, v27;
	v27 =	vmin.f32 v29, v27;
	v18 =	vmax.f32 v18, v30  }
0xe4: {  	v29 =	vld [tilespmem:s17+$0x170]  }
0xe5: {  	v30 =	vld [tilespmem:s17+$0x0]  }
0xe6: {  	v31 =	vld [tilespmem:s17+$0x10]  }
0xe7: {  	v32 =	vld [tilespmem:s17+$0x20]  }
0xe8: {  	v33 =	vld [tilespmem:s17+$0x30]  }
0xe9: {  	v34 =	vld [tilespmem:s17+$0x40]  }
0xea: {  	v36 =	vld [tilespmem:s17+$0x50];
	v19 =	vmin.f32 v19, v28;
	v35 =	vmax.f32 v22, v25;
	v22 =	vmin.f32 v22, v25  }
0xeb: {  	v28 =	vld [tilespmem:s17+$0x100];
	v25 =	vmax.f32 v26, v35;
	v22 =	vmin.f32 v27, v22;
	v27 =	vmax.f32 v21, v23  }
0xec: {  	v26 =	vld [tilespmem:s17+$0x60];
	v13 =	vmax.f32 v13, v25;
	v21 =	vmin.f32 v21, v23;
	v20 =	vmin.f32 v20, v22  }
0xed: {  	v25 =	vld [tilespmem:s17+$0x70];
	v23 =	vmax.f32 v24, v29;
	v24 =	vmin.f32 v24, v29;
	v29 =	vmin.f32 v32, v33  }
0xee: {  	v22 =	vmax.f32 v27, v23;
	v21 =	vmin.f32 v21, v24;
	v23 =	vld [tilespmem:s17+$0x110];
	v24 =	vmax.f32 v30, v31  }
0xef: {  	v27 =	vmin.f32 v30, v31;
	v30 =	vld [tilespmem:s17+$0x130];
	v17 =	vmax.f32 v17, v22;
	v22 =	vmax.f32 v32, v33  }
0xf0: {  	v15 =	vmin.f32 v15, v21;
	v21 =	vld [tilespmem:s17+$0x120];
	_ =	swait.ge [sflag:s14], $0x8000;
	v22 =	vmax.f32 v24, v22;
	v24 =	vmin.f32 v27, v29  }
0xf1: {  	v27 =	vmax.f32 v34, v36;
	v29 =	vmin.f32 v34, v36;
	[sflag:s14] =	ssyncset.done $0x0;
	v14 =	vmax.f32 v14, v22  }
0xf2: {  	s18 =	simm.s32 $0x0;
	v22 =	vmax.f32 v26, v25;
	v16 =	vmin.f32 v16, v24;
	v24 =	vmin.f32 v26, v25;
	[sflag:s14] =	ssyncadd.s32 $0xFFFF8000  }
0xf3: {  	v22 =	vmax.f32 v27, v22;
	v24 =	vmin.f32 v29, v24;
	v62 =	vld [tilespmem:s18+$0xF0]  }
0xf4: {  	v18 =	vmax.f32 v18, v22;
	v19 =	vmin.f32 v19, v24;
	v24 =	vld [tilespmem:s18+$0x90]  }
0xf5: {  	v25 =	vmax.f32 v28, v23;
	v23 =	vmin.f32 v28, v23;
	v14 =	vmax.f32 v14, v18;
	v18 =	vld [tilespmem:s18+$0x1C0]  }
0xf6: {  	v22 =	vmax.f32 v21, v30;
	v21 =	vmin.f32 v21, v30;
	v16 =	vmin.f32 v16, v19;
	v19 =	vld [tilespmem:s18+$0x1D0]  }
0xf7: {  	v30 =	vld [tilespmem:s18+$0xE0];
	v22 =	vmax.f32 v25, v22;
	v21 =	vmin.f32 v23, v21  }
0xf8: {  	v23 =	vld [tilespmem:s18+$0x80];
	v13 =	vmax.f32 v13, v22;
	v20 =	vmin.f32 v20, v21  }
0xf9: {  	v21 =	vld [tilespmem:s18+$0x1F0];
	v13 =	vmax.f32 v13, v17;
	v15 =	vmin.f32 v20, v15  }
0xfa: {  	v20 =	vld [tilespmem:s18+$0x1E0];
	v13 =	vmax.f32 v14, v13;
	v14 =	vmin.f32 v16, v15  }
0xfb: {  	v26 =	vld [tilespmem:s18+$0xB0];
	v22 =	vimm.f32 $3.402823470e+38;
	v15 =	vperm.xlane v13, v1;
	v16 =	vperm.xlane v14, v1  }
0xfc: {  	v25 =	vld [tilespmem:s18+$0xA0];
	v17 =	vimm.f32 $-3.402823470e+38;
	v27 =	vmax.f32 v18, v19;
	v18 =	vmin.f32 v18, v19  }
0xfd: {  	v29 =	vld [tilespmem:s18+$0xD0];
	v63 =	vmax.f32 v30, v62;
	v13 =	vmax.f32 v13, v15;
	v14 =	vmin.f32 v14, v16  }
0xfe: {  	v28 =	vld [tilespmem:s18+$0xC0];
	v30 =	vmin.f32 v30, v62;
	v15 =	vperm.xlane v13, v2;
	v16 =	vperm.xlane v14, v2  }
0xff: {  	v31 =	vmax.f32 v20, v21;
	v19 =	vmin.f32 v20, v21;
	v21 =	vmax.f32 v23, v24  }
0x100: {  	v23 =	vmin.f32 v23, v24;
	v20 =	vmax.f32 v27, v31;
	v18 =	vmin.f32 v18, v19  }
0x101: {  	v27 =	vmax.f32 v25, v26;
	v25 =	vmin.f32 v25, v26;
	v13 =	vmax.f32 v13, v15  }
0x102: {  	v24 =	vld [tilespmem:s18+$0x190];
	v14 =	vmin.f32 v14, v16;
	v18 =	vmin.f32 v22, v18;
	v19 =	vmax.f32 v17, v20  }
0x103: {  	v31 =	vld [tilespmem:s18+$0x180];
	v20 =	vmax.f32 v21, v27;
	v21 =	vmin.f32 v23, v25;
	v23 =	vmax.f32 v28, v29  }
0x104: {  	v27 =	vld [tilespmem:s18+$0x1A0];
	v28 =	vmin.f32 v28, v29;
	v15 =	vperm.xlane v13, v3;
	v16 =	vperm.xlane v14, v3  }
0x105: {  	s17 =	simm.s32 $0x200;
	v29 =	vld [tilespmem:s18+$0x1B0];
	v20 =	vmax.f32 v17, v20;
	v21 =	vmin.f32 v22, v21;
	v23 =	vmax.f32 v23, v63  }
0x106: {  	v26 =	vld [tilespmem:s17+$0x1D0];
	v32 =	vmin.f32 v28, v30;
	v13 =	vmax.f32 v13, v15;
	v14 =	vmin.f32 v14, v16  }
0x107: {  	v25 =	vld [tilespmem:s17+$0x1C0];
	v23 =	vmax.f32 v17, v23;
	v15 =	vperm.xlane v13, v4;
	v16 =	vperm.xlane v14, v4  }
0x108: {  	s18 =	simm.s32 $0x1000;
	v28 =	vld [tilespmem:s17+$0x1E0];
	v30 =	vmax.f32 v31, v24;
	v31 =	vmin.f32 v31, v24;
	v24 =	vimm.f32 $3.402823470e+38  }
.LBB2_16:
0x109: {  	p0 =	sne.s32 s18, $0x3F800;
	v33 =	vld [tilespmem:s17+$0x1F0];
	v22 =	vmin.f32 v22, v32  }
0x10a: {  	v32 =	vld [tilespmem:s17+$0x80];
	v34 =	vmax.f32 v27, v29;
	v27 =	vmin.f32 v27, v29  }
0x10b: {  	v29 =	vld [tilespmem:s17+$0x90];
	v30 =	vmax.f32 v30, v34;
	v27 =	vmin.f32 v31, v27  }
0x10c: {  	v31 =	vld [tilespmem:s17+$0xA0];
	v34 =	vmax.f32 v25, v26;
	v17 =	vmax.f32 v17, v30;
	v24 =	vmin.f32 v24, v27  }
0x10d: {  	v27 =	vld [tilespmem:s17+$0xB0]  }
0x10e: {  	v25 =	vmin.f32 v25, v26;
	v30 =	vld [tilespmem:s17+$0xC0];
	v35 =	vmax.f32 v28, v33;
	v26 =	vmin.f32 v28, v33  }
0x10f: {  	v28 =	vld [tilespmem:s17+$0xD0];
	v33 =	vmax.f32 v34, v35;
	v25 =	vmin.f32 v25, v26  }
0x110: {  	v26 =	vld [tilespmem:s17+$0xE0];
	v34 =	vmax.f32 v32, v29;
	v29 =	vmin.f32 v32, v29;
	v18 =	vmin.f32 v18, v25  }
0x111: {  	v19 =	vmax.f32 v19, v33;
	v32 =	vld [tilespmem:s17+$0xF0]  }
0x112: {  	v33 =	vld [tilespmem:s17+$0x180];
	v25 =	vmax.f32 v31, v27;
	v27 =	vmin.f32 v31, v27  }
0x113: {  	v31 =	vld [tilespmem:s17+$0x190];
	v25 =	vmax.f32 v34, v25;
	v34 =	vmin.f32 v29, v27  }
.Ltmp7:
0x114: {  	v27 =	vld [tilespmem:s17+$0x1A0];
	v35 =	vmax.f32 v30, v28;
	v28 =	vmin.f32 v30, v28;
	v20 =	vmax.f32 v20, v25;
	(pc) =	sbr.rel @p0 .LBB2_16-.Ltmp7, $4  }
0x115: {  	v21 =	vmin.f32 v21, v34;
	v29 =	vld [tilespmem:s17+$0x1B0];
	s17 =	sshra.s32 s18, $0x2  }
0x116: {  	v25 =	vld [tilespmem:s17+$0x1C0];
	v30 =	vmax.f32 v26, v32;
	v32 =	vmin.f32 v26, v32  }
0x117: {  	v26 =	vld [tilespmem:s17+$0x1D0];
	v34 =	vmax.f32 v35, v30;
	v32 =	vmin.f32 v28, v32  }
0x118: {  	s18 =	sadd.s32 $0x800, s18;
	v28 =	vld [tilespmem:s17+$0x1E0];
	v30 =	vmax.f32 v33, v31;
	v31 =	vmin.f32 v33, v31;
	v23 =	vmax.f32 v23, v34  }
0x119: {  	v33 =	vld [tilespmem:s17+$0x1F0]  }
0x11a: {  	v34 =	vld [tilespmem:s17+$0x80]  }
0x11b: {  	v35 =	vld [tilespmem:s17+$0x90]  }
0x11c: {  	v36 =	vld [tilespmem:s17+$0xA0]  }
0x11d: {  	v37 =	vld [tilespmem:s17+$0xB0]  }
0x11e: {  	v38 =	vld [tilespmem:s17+$0xC0]  }
0x11f: {  	v39 =	vld [tilespmem:s17+$0xD0]  }
0x120: {  	v57 =	vld [tilespmem:s17+$0xE0]  }
0x121: {  	v58 =	vld [tilespmem:s17+$0xF0]  }
0x122: {  	v42 =	vld [tilespmem:s17+$0x1A0];
	v40 =	vmax.f32 v27, v29;
	v56 =	vmin.f32 v27, v29  }
0x123: {  	v22 =	vmin.f32 v22, v32;
	v45 =	vld [tilespmem:s17+$0x1B0];
	v30 =	vmax.f32 v30, v40;
	v27 =	vmin.f32 v31, v56  }
0x124: {  	v17 =	vmax.f32 v17, v30;
	v59 =	vmax.f32 v25, v26;
	v24 =	vmin.f32 v24, v27  }
0x125: {  	v60 =	vld [tilespmem:s17+$0x180];
	v61 =	vmin.f32 v25, v26;
	v62 =	vmax.f32 v28, v33;
	v63 =	vmin.f32 v28, v33  }
0x126: {  	v40 =	vld [tilespmem:s17+$0x190];
	v41 =	vmax.f32 v34, v35;
	v43 =	vmin.f32 v34, v35;
	v44 =	vmax.f32 v36, v37  }
0x127: {  	v46 =	vmin.f32 v36, v37;
	v47 =	vmax.f32 v38, v39;
	v48 =	vmin.f32 v38, v39  }
0x128: {  	v49 =	vmax.f32 v57, v58;
	v29 =	vmin.f32 v57, v58;
	v52 =	vmin.f32 v42, v45  }
0x129: {  	v53 =	vmax.f32 v42, v45;
	v26 =	vmax.f32 v59, v62;
	v25 =	vmin.f32 v61, v63  }
0x12a: {  	v50 =	vmin.f32 v48, v29;
	v18 =	vmin.f32 v18, v25;
	v19 =	vmax.f32 v19, v26  }
0x12b: {  	v25 =	vmax.f32 v41, v44;
	v26 =	vmin.f32 v43, v46;
	v51 =	vmax.f32 v60, v40  }
0x12c: {  	v27 =	vmin.f32 v60, v40;
	v22 =	vmin.f32 v22, v50;
	v20 =	vmax.f32 v20, v25  }
0x12d: {  	v21 =	vmin.f32 v21, v26;
	v25 =	vmax.f32 v47, v49;
	v27 =	vmin.f32 v27, v52  }
0x12e: {  	v23 =	vmax.f32 v23, v25;
	v25 =	vmax.f32 v51, v53;
	v24 =	vmin.f32 v24, v27  }
0x12f: {  	v21 =	vmin.f32 v21, v22;
	v17 =	vmax.f32 v17, v25;
	v18 =	vmin.f32 v24, v18  }
0x130: {  	v20 =	vmax.f32 v20, v23;
	v17 =	vmax.f32 v17, v19;
	v18 =	vmin.f32 v21, v18  }
0x131: {  	v17 =	vmax.f32 v20, v17;
	v54 =	vperm.xlane v18, v1  }
0x132: {  	v20 =	vperm.xlane v17, v1  }
0x133: {  	v5 =	vmax.f32 v5, v7;
	v6 =	vmin.f32 v6, v8;
	v7 =	vmin.f32 v18, v54  }
0x134: {  	v8 =	vxor.u32 $0x80000000, v6;
	v17 =	vmax.f32 v17, v20;
	v18 =	vperm.xlane v7, v2  }
0x135: {  	vm3 =	vge.f32 v5, v8;
	v55 =	vperm.xlane v17, v2  }
0x136: {  	v5 =	vsel vm3, v5, v6;
	v6 =	vmin.f32 v7, v18  }
0x137: {  	v10 =	vmin.f32 v10, v12;
	v7 =	vmax.f32 v17, v55;
	v56 =	vperm.xlane v6, v3  }
0x138: {  	v9 =	vmax.f32 v9, v11;
	vm3 =	vmmov $0x1;
	v57 =	vperm.xlane v7, v3  }
0x139: {  	v5 =	vnsel vm3, $0x0, v5;
	v58 =	vxor.u32 $0x80000000, v10;
	v6 =	vmin.f32 v6, v56  }
0x13a: {  	vm3 =	vge.f32 v9, v58;
	v7 =	vmax.f32 v7, v57;
	v8 =	vperm.xlane v6, v4  }
0x13b: {  	v59 =	vmin.f32 v14, v16;
	v61 =	vmax.f32 v13, v15;
	v60 =	vperm.xlane v7, v4  }
0x13c: {  	v9 =	vsel vm3, v9, v10;
	v62 =	vxor.u32 $0x80000000, v59;
	v6 =	vmin.f32 v6, v8  }
0x13d: {  	vm3 =	vge.f32 v61, v62;
	v7 =	vmax.f32 v7, v60;
	v8 =	vxor.u32 $0x80000000, v6  }
0x13e: {  	v5 =	vsel vm0, v5, v9;
	v63 =	vsel vm3, v61, v59;
	vm3 =	vge.f32 v7, v8  }
0x13f: {  	v5 =	vsel vm1, v5, v63;
	v6 =	vsel vm3, v7, v6  }
0x140: {  	v5 =	vsel vm2, v5, v6  }
0x141: {  	v5 =	vsub.f32 $0.0e+00, v5;
	_ =	sdelay $0x1  }
0x142: {  	v5 =	vmul.f32 $1.442695020e+00, v5;
	_ =	sdelay $0x1  }
0x143: {  	(erf) = vpow2.f32 v5;
	_ =	sdelay $0x8  }
0x144: {  	v5 =	vpop (erf)  }
0x145: {  	v5 =	vadd.f32 $1.000000000e+00, v5;
	_ =	sdelay $0x1  }
0x146: {  	(erf) = vrcp.f32 v5;
	_ =	sdelay $0x3  }
0x147: {  	s31 =	sshrl.u32 s4, $0x2  }
0x148: {  	v5 =	vld [tilespmem:s31+$0x10000];
	_ =	sdelay $0x3  }
0x149: {  	v6 =	vpop (erf)  }
0x14a: {  	s16 =	sadd.s32 $0x1, s16;
	v5 =	vmul.f32 v6, v5  }
0x14b: {  	p0 =	sne.s32 s16, s10  }
.Ltmp8:
0x14c: {  	[tilespmem:$0x10100] =	vst v5;
	(pc) =	sbr.rel @p0 .LBB2_1-.Ltmp8, $4  }
0x14d: {  	[hbm4b:s9+s2] =	stream.linear.scatter [tilespmem:s15], [sflag:$0x3], $0x80, $0x38;
	[tilespmem:$0x10180] =	vst v63  }
0x14e: {  	_ =	swait.ge [sflag:s12], $0x80  }
0x14f: {  	[sflag:s12] =	ssyncset.done $0x0  }
0x150: {  	[sflag:s12] =	ssyncadd.s32 $0xFFFFFF80  }
0x151: {  	_ =	sfence.sel $0x180000  }
0x152: {  	[bflag:$0x0] =	sbarrier.arrive $0xFFFF  }
0x153: {  	p0 =	sne.s32 s3, $0x0;
	_ =	strace $0x90000047  }
0x154: {  	s0 =	sadd.s32 @!p0 $0x100000, s1;
	[bflag:$0x2] =	sbarrier.arrive $0xFFFF  }
0x155: {  	[sflag:s0] =	ssyncadd.tile.s32 @!p0 $0x1;
	_ =	shalt  }
.Lfunc_end2:
_tile_overlayer_lowered:
.L_overlay_start_2:
0x156: {  	(tag) =	ssettag $0x2  }
0x157: {  	s0 =	rddreg [dreg:$0x0];
	s2 =	stileid.u32  }
0x158: {  	s1 =	rddreg [dreg:$0x1];
	p0 =	sne.s32 s2, $0x0  }
0x159: {  	s3 =	rddreg [dreg:$0x2];
	[bflag:$0x3] =	sbarrier.arrive $0xFFFF;
	s2 =	simm.s32 @!p0 $0x1C03  }
0x15a: {  	[timem:s3], [sflag:s2] =	dma.local @!p0 [hbm:s0], s1  }
0x15b: {  	s0 =	simm.s32 @!p0 $0x3  }
0x15c: {  	_ =	swait.ge @!p0 [sflag:s0], s1  }
0x15d: {  	s1 =	ssub.s32 @!p0 $0x0, s1;
	[sflag:s0] =	ssyncset.done @!p0 $0x0  }
0x15e: {  	[sflag:s0] =	ssyncadd.s32 @!p0 s1  }
0x15f: {  	[bflag:$0x3] =	sbarrier.arrive $0xFFFF  }
0x160: {  	_ =	shalt  }

</sc_bundles>
